<compile_context>
chip_gen: v7x
topology: tpu7x:2x2x1
jax: 0.10.2.dev20260603
libtpu: 0.0.44.dev20260713+nightly
codegen_flags: <defaults>
</compile_context>

<pallas_src>
import functools

import jax
import jax.numpy as jnp
from jax import lax
from jax.experimental import pallas as pl
from jax.experimental.pallas import tpu as pltpu
from jax.experimental.pallas import tpu_sc as plsc

_NC = 2
_NS = 16


_DW = 16


def _segment_sum_sc(table, src, dst, zeros, deg_aux=None):
    n_rows, width = table.shape
    n_chunks, chunk = src.shape
    cpw = n_chunks // (_NC * _NS)
    rpt = n_rows // _NS
    assert n_rows % _NS == 0 and n_chunks % (_NC * _NS) == 0
    n_pairs = (cpw - 1) // 2
    assert cpw == 2 * n_pairs + 1
    with_deg = deg_aux is not None

    mesh = plsc.VectorSubcoreMesh(core_axis_name="c", subcore_axis_name="s")

    out_type = [jax.ShapeDtypeStruct((_NC, n_rows, width), jnp.float32)]
    scratch = [
        pltpu.VMEM((chunk,), jnp.int32),
        pltpu.VMEM((chunk,), jnp.int32),
        pltpu.VMEM((cpw, chunk), jnp.int32),
        pltpu.VMEM((chunk, width), jnp.float32),
        pltpu.VMEM((chunk, width), jnp.float32),
        pltpu.VMEM_SHARED((n_rows, width), jnp.float32),
        pltpu.SemaphoreType.DMA,
        pltpu.SemaphoreType.DMA,
        pltpu.SemaphoreType.DMA,
        pltpu.SemaphoreType.DMA,
    ]
    if with_deg:
        out_type.append(jax.ShapeDtypeStruct((_NC, n_rows, _DW), jnp.float32))
        scratch += [
            pltpu.VMEM((chunk, _DW), jnp.float32),
            pltpu.VMEM_SHARED((n_rows, _DW), jnp.float32),
        ]

    @functools.partial(
        pl.kernel,
        out_type=out_type,
        mesh=mesh,
        scratch_types=scratch,
        compiler_params=pltpu.CompilerParams(use_tc_tiling_on_sc=False),
    )
    def seg_sum(*refs):
        if with_deg:
            (table_hbm, src_hbm, dst_hbm, zeros_hbm, zd_hbm, ones_hbm,
             out_hbm, outd_hbm,
             sidx0, sidx1, didx, rows0, rows1, accum,
             gsem0, gsem1, isem0, isem1,
             ones_rows, dacc) = refs
        else:
            (table_hbm, src_hbm, dst_hbm, zeros_hbm, out_hbm,
             sidx0, sidx1, didx, rows0, rows1, accum,
             gsem0, gsem1, isem0, isem1) = refs
        c = lax.axis_index("c")
        s = lax.axis_index("s")
        wid = c * _NS + s
        base = wid * cpw
        pltpu.sync_copy(zeros_hbm.at[pl.ds(s * rpt, rpt)],
                        accum.at[pl.ds(s * rpt, rpt)])
        if with_deg:
            pltpu.sync_copy(zd_hbm.at[pl.ds(s * rpt, rpt)],
                            dacc.at[pl.ds(s * rpt, rpt)])
            pltpu.sync_copy(ones_hbm, ones_rows)
        pltpu.sync_copy(dst_hbm.at[pl.ds(base, cpw)], didx)
        pltpu.sync_copy(src_hbm.at[base], sidx0)
        pltpu.sync_copy(src_hbm.at[base + 1], sidx1)
        plsc.subcore_barrier()

        def gather(sidx, rows, sem):
            return pltpu.async_copy(table_hbm.at[sidx], rows, sem)

        def scatter(n, rows):
            pltpu.sync_copy(rows, accum.at[didx.at[n]], add=True)
            if with_deg:
                pltpu.sync_copy(ones_rows, dacc.at[didx.at[n]], add=True)

        gather(sidx0, rows0, gsem0)
        gather(sidx1, rows1, gsem1)

        def half(n, sidx, rows, gsem, isem):
            pltpu.make_async_copy(table_hbm.at[sidx], rows, gsem).wait()

            @pl.when(n + 2 < cpw)
            def _():
                pltpu.async_copy(src_hbm.at[base + n + 2], sidx, isem)

            scatter(n, rows)

            @pl.when(n + 2 < cpw)
            def _():
                pltpu.make_async_copy(src_hbm.at[base + n + 2], sidx,
                                      isem).wait()
                gather(sidx, rows, gsem)

        def body(m, carry):
            n0 = 2 * m
            half(n0, sidx0, rows0, gsem0, isem0)
            half(n0 + 1, sidx1, rows1, gsem1, isem1)
            return carry

        lax.fori_loop(0, n_pairs, body, 0, unroll=False)
        half(cpw - 1, sidx0, rows0, gsem0, isem0)
        plsc.subcore_barrier()
        pltpu.sync_copy(accum.at[pl.ds(s * rpt, rpt)],
                        out_hbm.at[c, pl.ds(s * rpt, rpt)])
        if with_deg:
            pltpu.sync_copy(dacc.at[pl.ds(s * rpt, rpt)],
                            outd_hbm.at[c, pl.ds(s * rpt, rpt)])

    if with_deg:
        return seg_sum(table, src, dst, zeros, *deg_aux)
    return seg_sum(table, src, dst, zeros)


def _mid_tc(x, p0, pd, w_self0, w_neigh0, b0, w_neigh1):
    n, d_in = x.shape
    d_hid = w_self0.shape[1]
    d_out = w_neigh1.shape[1]
    blk = 1000
    grid = n // blk

    def body(x_ref, p_ref, pd_ref, ws_ref, wn_ref, b_ref, wn1_ref,
             h1_ref, g_ref, invd_ref):
        acc = p_ref[0] + p_ref[1]
        deg = pd_ref[0, :, 0:1] + pd_ref[1, :, 0:1]
        inv = 1.0 / jnp.maximum(deg, 1.0)
        hn = acc * inv
        h1 = x_ref[...] @ ws_ref[...] + hn @ wn_ref[...] + b_ref[...]
        h1 = jnp.maximum(h1, 0.0)
        h1_ref[...] = h1
        g_ref[...] = h1 @ wn1_ref[...]
        invd_ref[...] = inv

    return pl.pallas_call(
        body,
        grid=(grid,),
        in_specs=[
            pl.BlockSpec((blk, d_in), lambda i: (i, 0)),
            pl.BlockSpec((_NC, blk, d_in), lambda i: (0, i, 0)),
            pl.BlockSpec((_NC, blk, _DW), lambda i: (0, i, 0)),
            pl.BlockSpec((d_in, d_hid), lambda i: (0, 0)),
            pl.BlockSpec((d_in, d_hid), lambda i: (0, 0)),
            pl.BlockSpec((1, d_hid), lambda i: (0, 0)),
            pl.BlockSpec((d_hid, d_out), lambda i: (0, 0)),
        ],
        out_specs=[
            pl.BlockSpec((blk, d_hid), lambda i: (i, 0)),
            pl.BlockSpec((blk, d_out), lambda i: (i, 0)),
            pl.BlockSpec((blk, 1), lambda i: (i, 0)),
        ],
        out_shape=[
            jax.ShapeDtypeStruct((n, d_hid), jnp.float32),
            jax.ShapeDtypeStruct((n, d_out), jnp.float32),
            jax.ShapeDtypeStruct((n, 1), jnp.float32),
        ],
    )(x, p0, pd, w_self0, w_neigh0, b0, w_neigh1)


def _final_tc(h1, p1, inv_deg, w_self1, b1):
    n, d_hid = h1.shape
    d_out = w_self1.shape[1]
    blk = 1000
    grid = n // blk

    def body(h_ref, p_ref, invd_ref, ws_ref, b_ref, out_ref):
        agg = (p_ref[0] + p_ref[1]) * invd_ref[...]
        out_ref[...] = h_ref[...] @ ws_ref[...] + agg + b_ref[...]

    return pl.pallas_call(
        body,
        grid=(grid,),
        in_specs=[
            pl.BlockSpec((blk, d_hid), lambda i: (i, 0)),
            pl.BlockSpec((_NC, blk, d_out), lambda i: (0, i, 0)),
            pl.BlockSpec((blk, 1), lambda i: (i, 0)),
            pl.BlockSpec((d_hid, d_out), lambda i: (0, 0)),
            pl.BlockSpec((1, d_out), lambda i: (0, 0)),
        ],
        out_specs=pl.BlockSpec((blk, d_out), lambda i: (i, 0)),
        out_shape=jax.ShapeDtypeStruct((n, d_out), jnp.float32),
    )(h1, p1, inv_deg, w_self1, b1)


def kernel(x, edge_index, W_self0, W_neigh0, b0, W_self1, W_neigh1, b1):
    n, d_in = x.shape
    chunk = 80
    src = edge_index[0].reshape(-1, chunk)
    dst = edge_index[1].reshape(-1, chunk)

    zeros = jnp.zeros((n, d_in), jnp.float32)
    zeros_d = jnp.zeros((n, _DW), jnp.float32)
    ones_blk = jnp.ones((chunk, _DW), jnp.float32)

    p0, pd = _segment_sum_sc(x, src, dst, zeros,
                             deg_aux=(zeros_d, ones_blk))
    h1, g, inv_deg = _mid_tc(x, p0, pd, W_self0, W_neigh0,
                             b0.reshape(1, -1), W_neigh1)
    p1, = _segment_sum_sc(g, src, dst, zeros)
    return _final_tc(h1, p1, inv_deg, W_self1, b1.reshape(1, -1))

# --- scband reference (transcript-rebuilt; emitter-appended) ---
"""Pipeline reference for scband-sage-25494925869609 (READ-ONLY COPY).

The authoritative reference and input builder live on the scoring server;
editing this copy changes nothing except your own understanding.
"""

import jax, jax.numpy as jnp
import numpy as np

N = 10000
E = 320000
D_IN = 128
D_HID = 256
D_OUT = 128


def setup_inputs(seed: int = 0) -> dict:
    key = jax.random.key(seed)
    ks = jax.random.split(key, 8)
    x = jax.random.normal(ks[0], (N, D_IN), dtype=jnp.float32)
    edge_index = jax.random.randint(ks[1], (2, E), 0, N, dtype=jnp.int32)
    W_self0 = jax.random.normal(ks[2], (D_IN, D_HID), dtype=jnp.float32) / np.sqrt(D_IN)
    W_neigh0 = jax.random.normal(ks[3], (D_IN, D_HID), dtype=jnp.float32) / np.sqrt(D_IN)
    b0 = jnp.zeros((D_HID,), dtype=jnp.float32)
    W_self1 = jax.random.normal(ks[4], (D_HID, D_OUT), dtype=jnp.float32) / np.sqrt(D_HID)
    W_neigh1 = jax.random.normal(ks[5], (D_HID, D_OUT), dtype=jnp.float32) / np.sqrt(D_HID)
    b1 = jnp.zeros((D_OUT,), dtype=jnp.float32)
    return {
        "x": x,
        "edge_index": edge_index,
        "W_self0": W_self0,
        "W_neigh0": W_neigh0,
        "b0": b0,
        "W_self1": W_self1,
        "W_neigh1": W_neigh1,
        "b1": b1,
    }


def _sage_conv(h, src, dst, W_self, W_neigh, b):
    # DGL SAGEConv with aggregator_type='mean':
    #   h_neigh[v] = mean_{u in N(v)} h[u]
    #   rst = fc_self(h_self) + fc_neigh(h_neigh) + bias
    msg = jnp.take(h, src, axis=0)                      # gather over src nodes
    agg = jax.ops.segment_sum(msg, dst, num_segments=N)  # scatter-add by dst
    deg = jax.ops.segment_sum(jnp.ones((src.shape[0],), dtype=h.dtype), dst, num_segments=N)
    h_neigh = agg / jnp.clip(deg, 1.0, None)[:, None]
    return h @ W_self + h_neigh @ W_neigh + b


def reference(x, edge_index, W_self0, W_neigh0, b0, W_self1, W_neigh1, b1):
    src = edge_index[0]
    dst = edge_index[1]
    h = _sage_conv(x, src, dst, W_self0, W_neigh0, b0)
    h = jax.nn.relu(h)  # dropout is identity in eval mode
    h = _sage_conv(h, src, dst, W_self1, W_neigh1, b1)
    return h

if __name__ == "__main__":
    import jax
    _d = setup_inputs()
    print(jax.jit(kernel)(*tuple(_d.values())))

</pallas_src>

<mosaic_0001>
#map = affine_map<(d0, d1) -> (0, 0)>
#map1 = affine_map<(d0, d1) -> (0, 0, 0)>
module attributes {stable_mosaic.version = 14 : i64} {
  func.func @seg_sum(%arg0: i32, %arg1: i32, %arg2: memref<10000x128xf32, #tpu.memory_space<hbm>>, %arg3: memref<4000x80xi32, #tpu.memory_space<hbm>>, %arg4: memref<4000x80xi32, #tpu.memory_space<hbm>>, %arg5: memref<10000x128xf32, #tpu.memory_space<hbm>>, %arg6: memref<2x10000x128xf32, #tpu.memory_space<hbm>>, %arg7: memref<80xi32, #tpu.memory_space<vmem>>, %arg8: memref<80xi32, #tpu.memory_space<vmem>>, %arg9: memref<125x80xi32, #tpu.memory_space<vmem>>, %arg10: memref<80x128xf32, #tpu.memory_space<vmem>>, %arg11: memref<80x128xf32, #tpu.memory_space<vmem>>, %arg12: memref<10000x128xf32, #tpu.memory_space<vmem_shared>>, %arg13: memref<!tpu.dma_semaphore, #tpu.memory_space<semaphore_mem>>, %arg14: memref<!tpu.dma_semaphore, #tpu.memory_space<semaphore_mem>>, %arg15: memref<!tpu.dma_semaphore, #tpu.memory_space<semaphore_mem>>, %arg16: memref<!tpu.dma_semaphore, #tpu.memory_space<semaphore_mem>>) attributes {dimension_semantics = [#tpu.dimension_semantics<core_parallel>, #tpu.dimension_semantics<subcore_parallel>], iteration_bounds = array<i64: 2, 16>, scalar_prefetch = 0 : i64, scratch_operands = 10 : i64, tpu.core_type = #tpu.core_type<sc_vector_subcore>, window_params = [{transform_indices = #map}, {transform_indices = #map}, {transform_indices = #map}, {transform_indices = #map}, {transform_indices = #map1}]} {
    %mul3A = arith.constant 16 : i32
    %mul3A_0 = arith.muli %arg0, %mul3A : i32
    %add3A = arith.addi %mul3A_0, %arg1 : i32
    %mul3A_1 = arith.constant 125 : i32
    %mul3A_2 = arith.muli %add3A, %mul3A_1 : i32
    %mul3A_3 = arith.constant 625 : i32
    %mul3A_4 = arith.muli %arg1, %mul3A_3 : i32
    %mul3A_5 = arith.constant 625 : i32
    %mul3A_6 = arith.muli %arg1, %mul3A_5 : i32
    "tpu.region"() ({
      %run_scoped3A_26 = tpu.sem_alloc : memref<!tpu.dma_semaphore, #tpu.memory_space<semaphore_mem>>
      %dma_start3A_27 = arith.constant 0 : i32
      %dma_start3A_28 = tpu.memref_slice %arg12[%mul3A_6, %dma_start3A_27] : memref<10000x128xf32, #tpu.memory_space<vmem_shared>> -> memref<625x128xf32, #tpu.memory_space<vmem_shared>>
      %dma_start3A_29 = arith.constant 0 : i32
      %dma_start3A_30 = tpu.memref_slice %arg5[%mul3A_4, %dma_start3A_29] : memref<10000x128xf32, #tpu.memory_space<hbm>> -> memref<625x128xf32, #tpu.memory_space<hbm>>
      tpu.enqueue_dma source(%dma_start3A_30 : memref<625x128xf32, #tpu.memory_space<hbm>>) target(%dma_start3A_28 : memref<625x128xf32, #tpu.memory_space<vmem_shared>>) target_semaphore(%run_scoped3A_26 : memref<!tpu.dma_semaphore, #tpu.memory_space<semaphore_mem>>)
      %dma_wait3A_31 = arith.constant 0 : i32
      %dma_wait3A_32 = tpu.memref_slice %arg12[%mul3A_6, %dma_wait3A_31] : memref<10000x128xf32, #tpu.memory_space<vmem_shared>> -> memref<625x128xf32, #tpu.memory_space<vmem_shared>>
      %dma_wait3A_33 = arith.constant 0 : i32
      %dma_wait3A_34 = tpu.memref_slice %arg5[%mul3A_4, %dma_wait3A_33] : memref<10000x128xf32, #tpu.memory_space<hbm>> -> memref<625x128xf32, #tpu.memory_space<hbm>>
      tpu.wait_dma2 semaphore(%run_scoped3A_26 : memref<!tpu.dma_semaphore, #tpu.memory_space<semaphore_mem>>) src(%dma_wait3A_34 : memref<625x128xf32, #tpu.memory_space<hbm>>) dst(%dma_wait3A_32 : memref<625x128xf32, #tpu.memory_space<vmem_shared>>)
      tpu.yield
    }) : () -> ()
    "tpu.region"() ({
      %run_scoped3A_26 = tpu.sem_alloc : memref<!tpu.dma_semaphore, #tpu.memory_space<semaphore_mem>>
      %dma_start3A_27 = arith.constant 0 : i32
      %dma_start3A_28 = tpu.memref_slice %arg4[%mul3A_2, %dma_start3A_27] : memref<4000x80xi32, #tpu.memory_space<hbm>> -> memref<125x80xi32, #tpu.memory_space<hbm>>
      %dma_start3A_29 = arith.constant 0 : i32
      %dma_start3A_30 = tpu.memref_slice %arg4[%mul3A_2, %dma_start3A_29] : memref<4000x80xi32, #tpu.memory_space<hbm>> -> memref<125x80xi32, #tpu.memory_space<hbm>>
      tpu.enqueue_dma source(%dma_start3A_30 : memref<125x80xi32, #tpu.memory_space<hbm>>) target(%arg9 : memref<125x80xi32, #tpu.memory_space<vmem>>) target_semaphore(%run_scoped3A_26 : memref<!tpu.dma_semaphore, #tpu.memory_space<semaphore_mem>>)
      %dma_wait3A_31 = arith.constant 0 : i32
      %dma_wait3A_32 = tpu.memref_slice %arg4[%mul3A_2, %dma_wait3A_31] : memref<4000x80xi32, #tpu.memory_space<hbm>> -> memref<125x80xi32, #tpu.memory_space<hbm>>
      %dma_wait3A_33 = arith.constant 0 : i32
      %dma_wait3A_34 = tpu.memref_slice %arg4[%mul3A_2, %dma_wait3A_33] : memref<4000x80xi32, #tpu.memory_space<hbm>> -> memref<125x80xi32, #tpu.memory_space<hbm>>
      tpu.wait_dma2 semaphore(%run_scoped3A_26 : memref<!tpu.dma_semaphore, #tpu.memory_space<semaphore_mem>>) src(%dma_wait3A_34 : memref<125x80xi32, #tpu.memory_space<hbm>>) dst(%arg9 : memref<125x80xi32, #tpu.memory_space<vmem>>)
      tpu.yield
    }) : () -> ()
    "tpu.region"() ({
      %run_scoped3A_26 = tpu.sem_alloc : memref<!tpu.dma_semaphore, #tpu.memory_space<semaphore_mem>>
      %dma_start3A_27 = arith.constant 0 : i32
      %dma_start3A_28 = tpu.memref_slice %arg3[%mul3A_2, %dma_start3A_27] : memref<4000x80xi32, #tpu.memory_space<hbm>> -> memref<1x80xi32, #tpu.memory_space<hbm>>
      %dma_start3A_29 = tpu.memref_squeeze %dma_start3A_28 : memref<1x80xi32, #tpu.memory_space<hbm>> -> memref<80xi32, #tpu.memory_space<hbm>>
      %dma_start3A_30 = arith.constant 0 : i32
      %dma_start3A_31 = tpu.memref_slice %arg3[%mul3A_2, %dma_start3A_30] : memref<4000x80xi32, #tpu.memory_space<hbm>> -> memref<1x80xi32, #tpu.memory_space<hbm>>
      %dma_start3A_32 = tpu.memref_squeeze %dma_start3A_31 : memref<1x80xi32, #tpu.memory_space<hbm>> -> memref<80xi32, #tpu.memory_space<hbm>>
      tpu.enqueue_dma source(%dma_start3A_32 : memref<80xi32, #tpu.memory_space<hbm>>) target(%arg7 : memref<80xi32, #tpu.memory_space<vmem>>) target_semaphore(%run_scoped3A_26 : memref<!tpu.dma_semaphore, #tpu.memory_space<semaphore_mem>>)
      %dma_wait3A_33 = arith.constant 0 : i32
      %dma_wait3A_34 = tpu.memref_slice %arg3[%mul3A_2, %dma_wait3A_33] : memref<4000x80xi32, #tpu.memory_space<hbm>> -> memref<1x80xi32, #tpu.memory_space<hbm>>
      %dma_wait3A_35 = tpu.memref_squeeze %dma_wait3A_34 : memref<1x80xi32, #tpu.memory_space<hbm>> -> memref<80xi32, #tpu.memory_space<hbm>>
      %dma_wait3A_36 = arith.constant 0 : i32
      %dma_wait3A_37 = tpu.memref_slice %arg3[%mul3A_2, %dma_wait3A_36] : memref<4000x80xi32, #tpu.memory_space<hbm>> -> memref<1x80xi32, #tpu.memory_space<hbm>>
      %dma_wait3A_38 = tpu.memref_squeeze %dma_wait3A_37 : memref<1x80xi32, #tpu.memory_space<hbm>> -> memref<80xi32, #tpu.memory_space<hbm>>
      tpu.wait_dma2 semaphore(%run_scoped3A_26 : memref<!tpu.dma_semaphore, #tpu.memory_space<semaphore_mem>>) src(%dma_wait3A_38 : memref<80xi32, #tpu.memory_space<hbm>>) dst(%arg7 : memref<80xi32, #tpu.memory_space<vmem>>)
      tpu.yield
    }) : () -> ()
    %add3A_7 = arith.constant 1 : i32
    %add3A_8 = arith.addi %mul3A_2, %add3A_7 : i32
    "tpu.region"() ({
      %run_scoped3A_26 = tpu.sem_alloc : memref<!tpu.dma_semaphore, #tpu.memory_space<semaphore_mem>>
      %dma_start3A_27 = arith.constant 0 : i32
      %dma_start3A_28 = tpu.memref_slice %arg3[%add3A_8, %dma_start3A_27] : memref<4000x80xi32, #tpu.memory_space<hbm>> -> memref<1x80xi32, #tpu.memory_space<hbm>>
      %dma_start3A_29 = tpu.memref_squeeze %dma_start3A_28 : memref<1x80xi32, #tpu.memory_space<hbm>> -> memref<80xi32, #tpu.memory_space<hbm>>
      %dma_start3A_30 = arith.constant 0 : i32
      %dma_start3A_31 = tpu.memref_slice %arg3[%add3A_8, %dma_start3A_30] : memref<4000x80xi32, #tpu.memory_space<hbm>> -> memref<1x80xi32, #tpu.memory_space<hbm>>
      %dma_start3A_32 = tpu.memref_squeeze %dma_start3A_31 : memref<1x80xi32, #tpu.memory_space<hbm>> -> memref<80xi32, #tpu.memory_space<hbm>>
      tpu.enqueue_dma source(%dma_start3A_32 : memref<80xi32, #tpu.memory_space<hbm>>) target(%arg8 : memref<80xi32, #tpu.memory_space<vmem>>) target_semaphore(%run_scoped3A_26 : memref<!tpu.dma_semaphore, #tpu.memory_space<semaphore_mem>>)
      %dma_wait3A_33 = arith.constant 0 : i32
      %dma_wait3A_34 = tpu.memref_slice %arg3[%add3A_8, %dma_wait3A_33] : memref<4000x80xi32, #tpu.memory_space<hbm>> -> memref<1x80xi32, #tpu.memory_space<hbm>>
      %dma_wait3A_35 = tpu.memref_squeeze %dma_wait3A_34 : memref<1x80xi32, #tpu.memory_space<hbm>> -> memref<80xi32, #tpu.memory_space<hbm>>
      %dma_wait3A_36 = arith.constant 0 : i32
      %dma_wait3A_37 = tpu.memref_slice %arg3[%add3A_8, %dma_wait3A_36] : memref<4000x80xi32, #tpu.memory_space<hbm>> -> memref<1x80xi32, #tpu.memory_space<hbm>>
      %dma_wait3A_38 = tpu.memref_squeeze %dma_wait3A_37 : memref<1x80xi32, #tpu.memory_space<hbm>> -> memref<80xi32, #tpu.memory_space<hbm>>
      tpu.wait_dma2 semaphore(%run_scoped3A_26 : memref<!tpu.dma_semaphore, #tpu.memory_space<semaphore_mem>>) src(%dma_wait3A_38 : memref<80xi32, #tpu.memory_space<hbm>>) dst(%arg8 : memref<80xi32, #tpu.memory_space<vmem>>)
      tpu.yield
    }) : () -> ()
    %barrier3A = arith.constant 0 : index
    tpu.barrier barrier_id(%barrier3A)
    %dma_start3A = arith.constant 0 : i32
    %dma_start3A_9 = arith.constant 0 : i32
    %dma_start3A_10 = tpu.memref_slice %arg2[%dma_start3A, %dma_start3A_9] : memref<10000x128xf32, #tpu.memory_space<hbm>> -> memref<10000x128xf32, #tpu.memory_space<hbm>>
    tpu.enqueue_indirect_dma source(%dma_start3A_10 : memref<10000x128xf32, #tpu.memory_space<hbm>>) target(%arg10 : memref<80x128xf32, #tpu.memory_space<vmem>>) offsets(%arg7 : memref<80xi32, #tpu.memory_space<vmem>>) semaphore(%arg13 : memref<!tpu.dma_semaphore, #tpu.memory_space<semaphore_mem>>)
    %dma_start3A_11 = arith.constant 0 : i32
    %dma_start3A_12 = arith.constant 0 : i32
    %dma_start3A_13 = tpu.memref_slice %arg2[%dma_start3A_11, %dma_start3A_12] : memref<10000x128xf32, #tpu.memory_space<hbm>> -> memref<10000x128xf32, #tpu.memory_space<hbm>>
    tpu.enqueue_indirect_dma source(%dma_start3A_13 : memref<10000x128xf32, #tpu.memory_space<hbm>>) target(%arg11 : memref<80x128xf32, #tpu.memory_space<vmem>>) offsets(%arg8 : memref<80xi32, #tpu.memory_space<vmem>>) semaphore(%arg14 : memref<!tpu.dma_semaphore, #tpu.memory_space<semaphore_mem>>)
    %scan3A = arith.constant 0 : i32
    %scan3A_14 = arith.constant 0 : i32
    %scan3A_15 = arith.constant 62 : i32
    %scan3A_16 = arith.addi %scan3A_14, %scan3A_15 : i32
    %scan3A_17 = arith.constant 1 : i32
    scf.for %scan3A_26 = %scan3A_14 to %scan3A_16 step %scan3A_17  : i32 {
      %mul3A_27 = arith.constant 2 : i32
      %mul3A_28 = arith.muli %mul3A_27, %scan3A_26 : i32
      %dma_wait3A_29 = arith.constant 0 : i32
      %dma_wait3A_30 = arith.constant 0 : i32
      %dma_wait3A_31 = tpu.memref_slice %arg2[%dma_wait3A_29, %dma_wait3A_30] : memref<10000x128xf32, #tpu.memory_space<hbm>> -> memref<10000x128xf32, #tpu.memory_space<hbm>>
      tpu.wait_indirect_dma semaphore(%arg13 : memref<!tpu.dma_semaphore, #tpu.memory_space<semaphore_mem>>) src(%dma_wait3A_31 : memref<10000x128xf32, #tpu.memory_space<hbm>>) dst(%arg10 : memref<80x128xf32, #tpu.memory_space<vmem>>)
      %add3A_32 = arith.constant 2 : i32
      %add3A_33 = arith.addi %mul3A_28, %add3A_32 : i32
      %lt3A = arith.constant 125 : i32
      %lt3A_34 = arith.cmpi slt, %add3A_33, %lt3A : i32
      %convert_element_type3A = arith.extui %lt3A_34 : i1 to i32
      %cond3A = arith.constant 0 : i32
      %cond3A_35 = arith.cmpi ne, %convert_element_type3A, %cond3A : i32
      scf.if %cond3A_35 {
        %add3A_62 = arith.addi %mul3A_2, %mul3A_28 : i32
        %add3A_63 = arith.constant 2 : i32
        %add3A_64 = arith.addi %add3A_62, %add3A_63 : i32
        %dma_start3A_65 = arith.constant 0 : i32
        %dma_start3A_66 = tpu.memref_slice %arg3[%add3A_64, %dma_start3A_65] : memref<4000x80xi32, #tpu.memory_space<hbm>> -> memref<1x80xi32, #tpu.memory_space<hbm>>
        %dma_start3A_67 = tpu.memref_squeeze %dma_start3A_66 : memref<1x80xi32, #tpu.memory_space<hbm>> -> memref<80xi32, #tpu.memory_space<hbm>>
        %dma_start3A_68 = arith.constant 0 : i32
        %dma_start3A_69 = tpu.memref_slice %arg3[%add3A_64, %dma_start3A_68] : memref<4000x80xi32, #tpu.memory_space<hbm>> -> memref<1x80xi32, #tpu.memory_space<hbm>>
        %dma_start3A_70 = tpu.memref_squeeze %dma_start3A_69 : memref<1x80xi32, #tpu.memory_space<hbm>> -> memref<80xi32, #tpu.memory_space<hbm>>
        tpu.enqueue_dma source(%dma_start3A_70 : memref<80xi32, #tpu.memory_space<hbm>>) target(%arg7 : memref<80xi32, #tpu.memory_space<vmem>>) target_semaphore(%arg15 : memref<!tpu.dma_semaphore, #tpu.memory_space<semaphore_mem>>)
      } else {
      }
      "tpu.region"() ({
        %run_scoped3A_62 = tpu.sem_alloc : memref<!tpu.dma_semaphore, #tpu.memory_space<semaphore_mem>>
        %dma_start3A_63 = arith.constant 0 : i32
        %dma_start3A_64 = tpu.memref_slice %arg9[%mul3A_28, %dma_start3A_63] : memref<125x80xi32, #tpu.memory_space<vmem>> -> memref<1x80xi32, #tpu.memory_space<vmem>>
        %dma_start3A_65 = tpu.memref_squeeze %dma_start3A_64 : memref<1x80xi32, #tpu.memory_space<vmem>> -> memref<80xi32, #tpu.memory_space<vmem>>
        %dma_start3A_66 = arith.constant 0 : i32
        %dma_start3A_67 = arith.constant 0 : i32
        %dma_start3A_68 = tpu.memref_slice %arg12[%dma_start3A_66, %dma_start3A_67] : memref<10000x128xf32, #tpu.memory_space<vmem_shared>> -> memref<10000x128xf32, #tpu.memory_space<vmem_shared>>
        tpu.enqueue_indirect_dma source(%arg10 : memref<80x128xf32, #tpu.memory_space<vmem>>) target(%dma_start3A_68 : memref<10000x128xf32, #tpu.memory_space<vmem_shared>>) offsets(%dma_start3A_65 : memref<80xi32, #tpu.memory_space<vmem>>) semaphore(%run_scoped3A_62 : memref<!tpu.dma_semaphore, #tpu.memory_space<semaphore_mem>>) {add = true}
        %dma_wait3A_69 = arith.constant 0 : i32
        %dma_wait3A_70 = tpu.memref_slice %arg9[%mul3A_28, %dma_wait3A_69] : memref<125x80xi32, #tpu.memory_space<vmem>> -> memref<1x80xi32, #tpu.memory_space<vmem>>
        %dma_wait3A_71 = tpu.memref_squeeze %dma_wait3A_70 : memref<1x80xi32, #tpu.memory_space<vmem>> -> memref<80xi32, #tpu.memory_space<vmem>>
        %dma_wait3A_72 = arith.constant 0 : i32
        %dma_wait3A_73 = arith.constant 0 : i32
        %dma_wait3A_74 = tpu.memref_slice %arg12[%dma_wait3A_72, %dma_wait3A_73] : memref<10000x128xf32, #tpu.memory_space<vmem_shared>> -> memref<10000x128xf32, #tpu.memory_space<vmem_shared>>
        tpu.wait_indirect_dma semaphore(%run_scoped3A_62 : memref<!tpu.dma_semaphore, #tpu.memory_space<semaphore_mem>>) src(%arg10 : memref<80x128xf32, #tpu.memory_space<vmem>>) dst(%dma_wait3A_74 : memref<10000x128xf32, #tpu.memory_space<vmem_shared>>)
        tpu.yield
      }) : () -> ()
      %add3A_36 = arith.constant 2 : i32
      %add3A_37 = arith.addi %mul3A_28, %add3A_36 : i32
      %lt3A_38 = arith.constant 125 : i32
      %lt3A_39 = arith.cmpi slt, %add3A_37, %lt3A_38 : i32
      %convert_element_type3A_40 = arith.extui %lt3A_39 : i1 to i32
      %cond3A_41 = arith.constant 0 : i32
      %cond3A_42 = arith.cmpi ne, %convert_element_type3A_40, %cond3A_41 : i32
      scf.if %cond3A_42 {
        %add3A_62 = arith.addi %mul3A_2, %mul3A_28 : i32
        %add3A_63 = arith.constant 2 : i32
        %add3A_64 = arith.addi %add3A_62, %add3A_63 : i32
        %dma_wait3A_65 = arith.constant 0 : i32
        %dma_wait3A_66 = tpu.memref_slice %arg3[%add3A_64, %dma_wait3A_65] : memref<4000x80xi32, #tpu.memory_space<hbm>> -> memref<1x80xi32, #tpu.memory_space<hbm>>
        %dma_wait3A_67 = tpu.memref_squeeze %dma_wait3A_66 : memref<1x80xi32, #tpu.memory_space<hbm>> -> memref<80xi32, #tpu.memory_space<hbm>>
        %dma_wait3A_68 = arith.constant 0 : i32
        %dma_wait3A_69 = tpu.memref_slice %arg3[%add3A_64, %dma_wait3A_68] : memref<4000x80xi32, #tpu.memory_space<hbm>> -> memref<1x80xi32, #tpu.memory_space<hbm>>
        %dma_wait3A_70 = tpu.memref_squeeze %dma_wait3A_69 : memref<1x80xi32, #tpu.memory_space<hbm>> -> memref<80xi32, #tpu.memory_space<hbm>>
        tpu.wait_dma2 semaphore(%arg15 : memref<!tpu.dma_semaphore, #tpu.memory_space<semaphore_mem>>) src(%dma_wait3A_70 : memref<80xi32, #tpu.memory_space<hbm>>) dst(%arg7 : memref<80xi32, #tpu.memory_space<vmem>>)
        %dma_start3A_71 = arith.constant 0 : i32
        %dma_start3A_72 = arith.constant 0 : i32
        %dma_start3A_73 = tpu.memref_slice %arg2[%dma_start3A_71, %dma_start3A_72] : memref<10000x128xf32, #tpu.memory_space<hbm>> -> memref<10000x128xf32, #tpu.memory_space<hbm>>
        tpu.enqueue_indirect_dma source(%dma_start3A_73 : memref<10000x128xf32, #tpu.memory_space<hbm>>) target(%arg10 : memref<80x128xf32, #tpu.memory_space<vmem>>) offsets(%arg7 : memref<80xi32, #tpu.memory_space<vmem>>) semaphore(%arg13 : memref<!tpu.dma_semaphore, #tpu.memory_space<semaphore_mem>>)
      } else {
      }
      %add3A_43 = arith.constant 1 : i32
      %add3A_44 = arith.addi %mul3A_28, %add3A_43 : i32
      %dma_wait3A_45 = arith.constant 0 : i32
      %dma_wait3A_46 = arith.constant 0 : i32
      %dma_wait3A_47 = tpu.memref_slice %arg2[%dma_wait3A_45, %dma_wait3A_46] : memref<10000x128xf32, #tpu.memory_space<hbm>> -> memref<10000x128xf32, #tpu.memory_space<hbm>>
      tpu.wait_indirect_dma semaphore(%arg14 : memref<!tpu.dma_semaphore, #tpu.memory_space<semaphore_mem>>) src(%dma_wait3A_47 : memref<10000x128xf32, #tpu.memory_space<hbm>>) dst(%arg11 : memref<80x128xf32, #tpu.memory_space<vmem>>)
      %add3A_48 = arith.constant 2 : i32
      %add3A_49 = arith.addi %add3A_44, %add3A_48 : i32
      %lt3A_50 = arith.constant 125 : i32
      %lt3A_51 = arith.cmpi slt, %add3A_49, %lt3A_50 : i32
      %convert_element_type3A_52 = arith.extui %lt3A_51 : i1 to i32
      %cond3A_53 = arith.constant 0 : i32
      %cond3A_54 = arith.cmpi ne, %convert_element_type3A_52, %cond3A_53 : i32
      scf.if %cond3A_54 {
        %add3A_62 = arith.addi %mul3A_2, %add3A_44 : i32
        %add3A_63 = arith.constant 2 : i32
        %add3A_64 = arith.addi %add3A_62, %add3A_63 : i32
        %dma_start3A_65 = arith.constant 0 : i32
        %dma_start3A_66 = tpu.memref_slice %arg3[%add3A_64, %dma_start3A_65] : memref<4000x80xi32, #tpu.memory_space<hbm>> -> memref<1x80xi32, #tpu.memory_space<hbm>>
        %dma_start3A_67 = tpu.memref_squeeze %dma_start3A_66 : memref<1x80xi32, #tpu.memory_space<hbm>> -> memref<80xi32, #tpu.memory_space<hbm>>
        %dma_start3A_68 = arith.constant 0 : i32
        %dma_start3A_69 = tpu.memref_slice %arg3[%add3A_64, %dma_start3A_68] : memref<4000x80xi32, #tpu.memory_space<hbm>> -> memref<1x80xi32, #tpu.memory_space<hbm>>
        %dma_start3A_70 = tpu.memref_squeeze %dma_start3A_69 : memref<1x80xi32, #tpu.memory_space<hbm>> -> memref<80xi32, #tpu.memory_space<hbm>>
        tpu.enqueue_dma source(%dma_start3A_70 : memref<80xi32, #tpu.memory_space<hbm>>) target(%arg8 : memref<80xi32, #tpu.memory_space<vmem>>) target_semaphore(%arg16 : memref<!tpu.dma_semaphore, #tpu.memory_space<semaphore_mem>>)
      } else {
      }
      "tpu.region"() ({
        %run_scoped3A_62 = tpu.sem_alloc : memref<!tpu.dma_semaphore, #tpu.memory_space<semaphore_mem>>
        %dma_start3A_63 = arith.constant 0 : i32
        %dma_start3A_64 = tpu.memref_slice %arg9[%add3A_44, %dma_start3A_63] : memref<125x80xi32, #tpu.memory_space<vmem>> -> memref<1x80xi32, #tpu.memory_space<vmem>>
        %dma_start3A_65 = tpu.memref_squeeze %dma_start3A_64 : memref<1x80xi32, #tpu.memory_space<vmem>> -> memref<80xi32, #tpu.memory_space<vmem>>
        %dma_start3A_66 = arith.constant 0 : i32
        %dma_start3A_67 = arith.constant 0 : i32
        %dma_start3A_68 = tpu.memref_slice %arg12[%dma_start3A_66, %dma_start3A_67] : memref<10000x128xf32, #tpu.memory_space<vmem_shared>> -> memref<10000x128xf32, #tpu.memory_space<vmem_shared>>
        tpu.enqueue_indirect_dma source(%arg11 : memref<80x128xf32, #tpu.memory_space<vmem>>) target(%dma_start3A_68 : memref<10000x128xf32, #tpu.memory_space<vmem_shared>>) offsets(%dma_start3A_65 : memref<80xi32, #tpu.memory_space<vmem>>) semaphore(%run_scoped3A_62 : memref<!tpu.dma_semaphore, #tpu.memory_space<semaphore_mem>>) {add = true}
        %dma_wait3A_69 = arith.constant 0 : i32
        %dma_wait3A_70 = tpu.memref_slice %arg9[%add3A_44, %dma_wait3A_69] : memref<125x80xi32, #tpu.memory_space<vmem>> -> memref<1x80xi32, #tpu.memory_space<vmem>>
        %dma_wait3A_71 = tpu.memref_squeeze %dma_wait3A_70 : memref<1x80xi32, #tpu.memory_space<vmem>> -> memref<80xi32, #tpu.memory_space<vmem>>
        %dma_wait3A_72 = arith.constant 0 : i32
        %dma_wait3A_73 = arith.constant 0 : i32
        %dma_wait3A_74 = tpu.memref_slice %arg12[%dma_wait3A_72, %dma_wait3A_73] : memref<10000x128xf32, #tpu.memory_space<vmem_shared>> -> memref<10000x128xf32, #tpu.memory_space<vmem_shared>>
        tpu.wait_indirect_dma semaphore(%run_scoped3A_62 : memref<!tpu.dma_semaphore, #tpu.memory_space<semaphore_mem>>) src(%arg11 : memref<80x128xf32, #tpu.memory_space<vmem>>) dst(%dma_wait3A_74 : memref<10000x128xf32, #tpu.memory_space<vmem_shared>>)
        tpu.yield
      }) : () -> ()
      %add3A_55 = arith.constant 2 : i32
      %add3A_56 = arith.addi %add3A_44, %add3A_55 : i32
      %lt3A_57 = arith.constant 125 : i32
      %lt3A_58 = arith.cmpi slt, %add3A_56, %lt3A_57 : i32
      %convert_element_type3A_59 = arith.extui %lt3A_58 : i1 to i32
      %cond3A_60 = arith.constant 0 : i32
      %cond3A_61 = arith.cmpi ne, %convert_element_type3A_59, %cond3A_60 : i32
      scf.if %cond3A_61 {
        %add3A_62 = arith.addi %mul3A_2, %add3A_44 : i32
        %add3A_63 = arith.constant 2 : i32
        %add3A_64 = arith.addi %add3A_62, %add3A_63 : i32
        %dma_wait3A_65 = arith.constant 0 : i32
        %dma_wait3A_66 = tpu.memref_slice %arg3[%add3A_64, %dma_wait3A_65] : memref<4000x80xi32, #tpu.memory_space<hbm>> -> memref<1x80xi32, #tpu.memory_space<hbm>>
        %dma_wait3A_67 = tpu.memref_squeeze %dma_wait3A_66 : memref<1x80xi32, #tpu.memory_space<hbm>> -> memref<80xi32, #tpu.memory_space<hbm>>
        %dma_wait3A_68 = arith.constant 0 : i32
        %dma_wait3A_69 = tpu.memref_slice %arg3[%add3A_64, %dma_wait3A_68] : memref<4000x80xi32, #tpu.memory_space<hbm>> -> memref<1x80xi32, #tpu.memory_space<hbm>>
        %dma_wait3A_70 = tpu.memref_squeeze %dma_wait3A_69 : memref<1x80xi32, #tpu.memory_space<hbm>> -> memref<80xi32, #tpu.memory_space<hbm>>
        tpu.wait_dma2 semaphore(%arg16 : memref<!tpu.dma_semaphore, #tpu.memory_space<semaphore_mem>>) src(%dma_wait3A_70 : memref<80xi32, #tpu.memory_space<hbm>>) dst(%arg8 : memref<80xi32, #tpu.memory_space<vmem>>)
        %dma_start3A_71 = arith.constant 0 : i32
        %dma_start3A_72 = arith.constant 0 : i32
        %dma_start3A_73 = tpu.memref_slice %arg2[%dma_start3A_71, %dma_start3A_72] : memref<10000x128xf32, #tpu.memory_space<hbm>> -> memref<10000x128xf32, #tpu.memory_space<hbm>>
        tpu.enqueue_indirect_dma source(%dma_start3A_73 : memref<10000x128xf32, #tpu.memory_space<hbm>>) target(%arg11 : memref<80x128xf32, #tpu.memory_space<vmem>>) offsets(%arg8 : memref<80xi32, #tpu.memory_space<vmem>>) semaphore(%arg14 : memref<!tpu.dma_semaphore, #tpu.memory_space<semaphore_mem>>)
      } else {
      }
    }
    %scan3A_18 = arith.constant 62 : i32
    %dma_wait3A = arith.constant 0 : i32
    %dma_wait3A_19 = arith.constant 0 : i32
    %dma_wait3A_20 = tpu.memref_slice %arg2[%dma_wait3A, %dma_wait3A_19] : memref<10000x128xf32, #tpu.memory_space<hbm>> -> memref<10000x128xf32, #tpu.memory_space<hbm>>
    tpu.wait_indirect_dma semaphore(%arg13 : memref<!tpu.dma_semaphore, #tpu.memory_space<semaphore_mem>>) src(%dma_wait3A_20 : memref<10000x128xf32, #tpu.memory_space<hbm>>) dst(%arg10 : memref<80x128xf32, #tpu.memory_space<vmem>>)
    %run_scoped3A = arith.constant 124 : i32
    "tpu.region"() ({
      %run_scoped3A_26 = tpu.sem_alloc : memref<!tpu.dma_semaphore, #tpu.memory_space<semaphore_mem>>
      %dma_start3A_27 = arith.constant 0 : i32
      %dma_start3A_28 = tpu.memref_slice %arg9[%run_scoped3A, %dma_start3A_27] : memref<125x80xi32, #tpu.memory_space<vmem>> -> memref<1x80xi32, #tpu.memory_space<vmem>>
      %dma_start3A_29 = tpu.memref_squeeze %dma_start3A_28 : memref<1x80xi32, #tpu.memory_space<vmem>> -> memref<80xi32, #tpu.memory_space<vmem>>
      %dma_start3A_30 = arith.constant 0 : i32
      %dma_start3A_31 = arith.constant 0 : i32
      %dma_start3A_32 = tpu.memref_slice %arg12[%dma_start3A_30, %dma_start3A_31] : memref<10000x128xf32, #tpu.memory_space<vmem_shared>> -> memref<10000x128xf32, #tpu.memory_space<vmem_shared>>
      tpu.enqueue_indirect_dma source(%arg10 : memref<80x128xf32, #tpu.memory_space<vmem>>) target(%dma_start3A_32 : memref<10000x128xf32, #tpu.memory_space<vmem_shared>>) offsets(%dma_start3A_29 : memref<80xi32, #tpu.memory_space<vmem>>) semaphore(%run_scoped3A_26 : memref<!tpu.dma_semaphore, #tpu.memory_space<semaphore_mem>>) {add = true}
      %dma_wait3A_33 = arith.constant 0 : i32
      %dma_wait3A_34 = tpu.memref_slice %arg9[%run_scoped3A, %dma_wait3A_33] : memref<125x80xi32, #tpu.memory_space<vmem>> -> memref<1x80xi32, #tpu.memory_space<vmem>>
      %dma_wait3A_35 = tpu.memref_squeeze %dma_wait3A_34 : memref<1x80xi32, #tpu.memory_space<vmem>> -> memref<80xi32, #tpu.memory_space<vmem>>
      %dma_wait3A_36 = arith.constant 0 : i32
      %dma_wait3A_37 = arith.constant 0 : i32
      %dma_wait3A_38 = tpu.memref_slice %arg12[%dma_wait3A_36, %dma_wait3A_37] : memref<10000x128xf32, #tpu.memory_space<vmem_shared>> -> memref<10000x128xf32, #tpu.memory_space<vmem_shared>>
      tpu.wait_indirect_dma semaphore(%run_scoped3A_26 : memref<!tpu.dma_semaphore, #tpu.memory_space<semaphore_mem>>) src(%arg10 : memref<80x128xf32, #tpu.memory_space<vmem>>) dst(%dma_wait3A_38 : memref<10000x128xf32, #tpu.memory_space<vmem_shared>>)
      tpu.yield
    }) : () -> ()
    %barrier3A_21 = arith.constant 0 : index
    tpu.barrier barrier_id(%barrier3A_21)
    %mul3A_22 = arith.constant 625 : i32
    %mul3A_23 = arith.muli %arg1, %mul3A_22 : i32
    %mul3A_24 = arith.constant 625 : i32
    %mul3A_25 = arith.muli %arg1, %mul3A_24 : i32
    "tpu.region"() ({
      %run_scoped3A_26 = tpu.sem_alloc : memref<!tpu.dma_semaphore, #tpu.memory_space<semaphore_mem>>
      %dma_start3A_27 = arith.constant 0 : i32
      %dma_start3A_28 = tpu.memref_slice %arg6[%arg0, %mul3A_25, %dma_start3A_27] : memref<2x10000x128xf32, #tpu.memory_space<hbm>> -> memref<1x625x128xf32, #tpu.memory_space<hbm>>
      %dma_start3A_29 = tpu.memref_squeeze %dma_start3A_28 : memref<1x625x128xf32, #tpu.memory_space<hbm>> -> memref<625x128xf32, #tpu.memory_space<hbm>>
      %dma_start3A_30 = arith.constant 0 : i32
      %dma_start3A_31 = tpu.memref_slice %arg12[%mul3A_23, %dma_start3A_30] : memref<10000x128xf32, #tpu.memory_space<vmem_shared>> -> memref<625x128xf32, #tpu.memory_space<vmem_shared>>
      tpu.enqueue_dma source(%dma_start3A_31 : memref<625x128xf32, #tpu.memory_space<vmem_shared>>) target(%dma_start3A_29 : memref<625x128xf32, #tpu.memory_space<hbm>>) target_semaphore(%run_scoped3A_26 : memref<!tpu.dma_semaphore, #tpu.memory_space<semaphore_mem>>)
      %dma_wait3A_32 = arith.constant 0 : i32
      %dma_wait3A_33 = tpu.memref_slice %arg6[%arg0, %mul3A_25, %dma_wait3A_32] : memref<2x10000x128xf32, #tpu.memory_space<hbm>> -> memref<1x625x128xf32, #tpu.memory_space<hbm>>
      %dma_wait3A_34 = tpu.memref_squeeze %dma_wait3A_33 : memref<1x625x128xf32, #tpu.memory_space<hbm>> -> memref<625x128xf32, #tpu.memory_space<hbm>>
      %dma_wait3A_35 = arith.constant 0 : i32
      %dma_wait3A_36 = tpu.memref_slice %arg12[%mul3A_23, %dma_wait3A_35] : memref<10000x128xf32, #tpu.memory_space<vmem_shared>> -> memref<625x128xf32, #tpu.memory_space<vmem_shared>>
      tpu.wait_dma2 semaphore(%run_scoped3A_26 : memref<!tpu.dma_semaphore, #tpu.memory_space<semaphore_mem>>) src(%dma_wait3A_36 : memref<625x128xf32, #tpu.memory_space<vmem_shared>>) dst(%dma_wait3A_34 : memref<625x128xf32, #tpu.memory_space<hbm>>)
      tpu.yield
    }) : () -> ()
    return
  }
}

#map = affine_map<(d0, d1) -> (0, 0)>
#map1 = affine_map<(d0, d1) -> (0, 0, 0)>
module attributes {stable_mosaic.version = 14 : i64} {
  func.func @seg_sum(%arg0: i32, %arg1: i32, %arg2: memref<10000x128xf32, #tpu.memory_space<hbm>>, %arg3: memref<4000x80xi32, #tpu.memory_space<hbm>>, %arg4: memref<4000x80xi32, #tpu.memory_space<hbm>>, %arg5: memref<10000x128xf32, #tpu.memory_space<hbm>>, %arg6: memref<10000x16xf32, #tpu.memory_space<hbm>>, %arg7: memref<80x16xf32, #tpu.memory_space<hbm>>, %arg8: memref<2x10000x128xf32, #tpu.memory_space<hbm>>, %arg9: memref<2x10000x16xf32, #tpu.memory_space<hbm>>, %arg10: memref<80xi32, #tpu.memory_space<vmem>>, %arg11: memref<80xi32, #tpu.memory_space<vmem>>, %arg12: memref<125x80xi32, #tpu.memory_space<vmem>>, %arg13: memref<80x128xf32, #tpu.memory_space<vmem>>, %arg14: memref<80x128xf32, #tpu.memory_space<vmem>>, %arg15: memref<10000x128xf32, #tpu.memory_space<vmem_shared>>, %arg16: memref<!tpu.dma_semaphore, #tpu.memory_space<semaphore_mem>>, %arg17: memref<!tpu.dma_semaphore, #tpu.memory_space<semaphore_mem>>, %arg18: memref<!tpu.dma_semaphore, #tpu.memory_space<semaphore_mem>>, %arg19: memref<!tpu.dma_semaphore, #tpu.memory_space<semaphore_mem>>, %arg20: memref<80x16xf32, #tpu.memory_space<vmem>>, %arg21: memref<10000x16xf32, #tpu.memory_space<vmem_shared>>) attributes {dimension_semantics = [#tpu.dimension_semantics<core_parallel>, #tpu.dimension_semantics<subcore_parallel>], iteration_bounds = array<i64: 2, 16>, scalar_prefetch = 0 : i64, scratch_operands = 12 : i64, tpu.core_type = #tpu.core_type<sc_vector_subcore>, window_params = [{transform_indices = #map}, {transform_indices = #map}, {transform_indices = #map}, {transform_indices = #map}, {transform_indices = #map}, {transform_indices = #map}, {transform_indices = #map1}, {transform_indices = #map1}]} {
    %mul3A = arith.constant 16 : i32
    %mul3A_0 = arith.muli %arg0, %mul3A : i32
    %add3A = arith.addi %mul3A_0, %arg1 : i32
    %mul3A_1 = arith.constant 125 : i32
    %mul3A_2 = arith.muli %add3A, %mul3A_1 : i32
    %mul3A_3 = arith.constant 625 : i32
    %mul3A_4 = arith.muli %arg1, %mul3A_3 : i32
    %mul3A_5 = arith.constant 625 : i32
    %mul3A_6 = arith.muli %arg1, %mul3A_5 : i32
    "tpu.region"() ({
      %run_scoped3A_35 = tpu.sem_alloc : memref<!tpu.dma_semaphore, #tpu.memory_space<semaphore_mem>>
      %dma_start3A_36 = arith.constant 0 : i32
      %dma_start3A_37 = tpu.memref_slice %arg15[%mul3A_6, %dma_start3A_36] : memref<10000x128xf32, #tpu.memory_space<vmem_shared>> -> memref<625x128xf32, #tpu.memory_space<vmem_shared>>
      %dma_start3A_38 = arith.constant 0 : i32
      %dma_start3A_39 = tpu.memref_slice %arg5[%mul3A_4, %dma_start3A_38] : memref<10000x128xf32, #tpu.memory_space<hbm>> -> memref<625x128xf32, #tpu.memory_space<hbm>>
      tpu.enqueue_dma source(%dma_start3A_39 : memref<625x128xf32, #tpu.memory_space<hbm>>) target(%dma_start3A_37 : memref<625x128xf32, #tpu.memory_space<vmem_shared>>) target_semaphore(%run_scoped3A_35 : memref<!tpu.dma_semaphore, #tpu.memory_space<semaphore_mem>>)
      %dma_wait3A_40 = arith.constant 0 : i32
      %dma_wait3A_41 = tpu.memref_slice %arg15[%mul3A_6, %dma_wait3A_40] : memref<10000x128xf32, #tpu.memory_space<vmem_shared>> -> memref<625x128xf32, #tpu.memory_space<vmem_shared>>
      %dma_wait3A_42 = arith.constant 0 : i32
      %dma_wait3A_43 = tpu.memref_slice %arg5[%mul3A_4, %dma_wait3A_42] : memref<10000x128xf32, #tpu.memory_space<hbm>> -> memref<625x128xf32, #tpu.memory_space<hbm>>
      tpu.wait_dma2 semaphore(%run_scoped3A_35 : memref<!tpu.dma_semaphore, #tpu.memory_space<semaphore_mem>>) src(%dma_wait3A_43 : memref<625x128xf32, #tpu.memory_space<hbm>>) dst(%dma_wait3A_41 : memref<625x128xf32, #tpu.memory_space<vmem_shared>>)
      tpu.yield
    }) : () -> ()
    %mul3A_7 = arith.constant 625 : i32
    %mul3A_8 = arith.muli %arg1, %mul3A_7 : i32
    %mul3A_9 = arith.constant 625 : i32
    %mul3A_10 = arith.muli %arg1, %mul3A_9 : i32
    "tpu.region"() ({
      %run_scoped3A_35 = tpu.sem_alloc : memref<!tpu.dma_semaphore, #tpu.memory_space<semaphore_mem>>
      %dma_start3A_36 = arith.constant 0 : i32
      %dma_start3A_37 = tpu.memref_slice %arg21[%mul3A_10, %dma_start3A_36] : memref<10000x16xf32, #tpu.memory_space<vmem_shared>> -> memref<625x16xf32, #tpu.memory_space<vmem_shared>>
      %dma_start3A_38 = arith.constant 0 : i32
      %dma_start3A_39 = tpu.memref_slice %arg6[%mul3A_8, %dma_start3A_38] : memref<10000x16xf32, #tpu.memory_space<hbm>> -> memref<625x16xf32, #tpu.memory_space<hbm>>
      tpu.enqueue_dma source(%dma_start3A_39 : memref<625x16xf32, #tpu.memory_space<hbm>>) target(%dma_start3A_37 : memref<625x16xf32, #tpu.memory_space<vmem_shared>>) target_semaphore(%run_scoped3A_35 : memref<!tpu.dma_semaphore, #tpu.memory_space<semaphore_mem>>)
      %dma_wait3A_40 = arith.constant 0 : i32
      %dma_wait3A_41 = tpu.memref_slice %arg21[%mul3A_10, %dma_wait3A_40] : memref<10000x16xf32, #tpu.memory_space<vmem_shared>> -> memref<625x16xf32, #tpu.memory_space<vmem_shared>>
      %dma_wait3A_42 = arith.constant 0 : i32
      %dma_wait3A_43 = tpu.memref_slice %arg6[%mul3A_8, %dma_wait3A_42] : memref<10000x16xf32, #tpu.memory_space<hbm>> -> memref<625x16xf32, #tpu.memory_space<hbm>>
      tpu.wait_dma2 semaphore(%run_scoped3A_35 : memref<!tpu.dma_semaphore, #tpu.memory_space<semaphore_mem>>) src(%dma_wait3A_43 : memref<625x16xf32, #tpu.memory_space<hbm>>) dst(%dma_wait3A_41 : memref<625x16xf32, #tpu.memory_space<vmem_shared>>)
      tpu.yield
    }) : () -> ()
    "tpu.region"() ({
      %run_scoped3A_35 = tpu.sem_alloc : memref<!tpu.dma_semaphore, #tpu.memory_space<semaphore_mem>>
      tpu.enqueue_dma source(%arg7 : memref<80x16xf32, #tpu.memory_space<hbm>>) target(%arg20 : memref<80x16xf32, #tpu.memory_space<vmem>>) target_semaphore(%run_scoped3A_35 : memref<!tpu.dma_semaphore, #tpu.memory_space<semaphore_mem>>)
      tpu.wait_dma2 semaphore(%run_scoped3A_35 : memref<!tpu.dma_semaphore, #tpu.memory_space<semaphore_mem>>) src(%arg7 : memref<80x16xf32, #tpu.memory_space<hbm>>) dst(%arg20 : memref<80x16xf32, #tpu.memory_space<vmem>>)
      tpu.yield
    }) : () -> ()
    "tpu.region"() ({
      %run_scoped3A_35 = tpu.sem_alloc : memref<!tpu.dma_semaphore, #tpu.memory_space<semaphore_mem>>
      %dma_start3A_36 = arith.constant 0 : i32
      %dma_start3A_37 = tpu.memref_slice %arg4[%mul3A_2, %dma_start3A_36] : memref<4000x80xi32, #tpu.memory_space<hbm>> -> memref<125x80xi32, #tpu.memory_space<hbm>>
      %dma_start3A_38 = arith.constant 0 : i32
      %dma_start3A_39 = tpu.memref_slice %arg4[%mul3A_2, %dma_start3A_38] : memref<4000x80xi32, #tpu.memory_space<hbm>> -> memref<125x80xi32, #tpu.memory_space<hbm>>
      tpu.enqueue_dma source(%dma_start3A_39 : memref<125x80xi32, #tpu.memory_space<hbm>>) target(%arg12 : memref<125x80xi32, #tpu.memory_space<vmem>>) target_semaphore(%run_scoped3A_35 : memref<!tpu.dma_semaphore, #tpu.memory_space<semaphore_mem>>)
      %dma_wait3A_40 = arith.constant 0 : i32
      %dma_wait3A_41 = tpu.memref_slice %arg4[%mul3A_2, %dma_wait3A_40] : memref<4000x80xi32, #tpu.memory_space<hbm>> -> memref<125x80xi32, #tpu.memory_space<hbm>>
      %dma_wait3A_42 = arith.constant 0 : i32
      %dma_wait3A_43 = tpu.memref_slice %arg4[%mul3A_2, %dma_wait3A_42] : memref<4000x80xi32, #tpu.memory_space<hbm>> -> memref<125x80xi32, #tpu.memory_space<hbm>>
      tpu.wait_dma2 semaphore(%run_scoped3A_35 : memref<!tpu.dma_semaphore, #tpu.memory_space<semaphore_mem>>) src(%dma_wait3A_43 : memref<125x80xi32, #tpu.memory_space<hbm>>) dst(%arg12 : memref<125x80xi32, #tpu.memory_space<vmem>>)
      tpu.yield
    }) : () -> ()
    "tpu.region"() ({
      %run_scoped3A_35 = tpu.sem_alloc : memref<!tpu.dma_semaphore, #tpu.memory_space<semaphore_mem>>
      %dma_start3A_36 = arith.constant 0 : i32
      %dma_start3A_37 = tpu.memref_slice %arg3[%mul3A_2, %dma_start3A_36] : memref<4000x80xi32, #tpu.memory_space<hbm>> -> memref<1x80xi32, #tpu.memory_space<hbm>>
      %dma_start3A_38 = tpu.memref_squeeze %dma_start3A_37 : memref<1x80xi32, #tpu.memory_space<hbm>> -> memref<80xi32, #tpu.memory_space<hbm>>
      %dma_start3A_39 = arith.constant 0 : i32
      %dma_start3A_40 = tpu.memref_slice %arg3[%mul3A_2, %dma_start3A_39] : memref<4000x80xi32, #tpu.memory_space<hbm>> -> memref<1x80xi32, #tpu.memory_space<hbm>>
      %dma_start3A_41 = tpu.memref_squeeze %dma_start3A_40 : memref<1x80xi32, #tpu.memory_space<hbm>> -> memref<80xi32, #tpu.memory_space<hbm>>
      tpu.enqueue_dma source(%dma_start3A_41 : memref<80xi32, #tpu.memory_space<hbm>>) target(%arg10 : memref<80xi32, #tpu.memory_space<vmem>>) target_semaphore(%run_scoped3A_35 : memref<!tpu.dma_semaphore, #tpu.memory_space<semaphore_mem>>)
      %dma_wait3A_42 = arith.constant 0 : i32
      %dma_wait3A_43 = tpu.memref_slice %arg3[%mul3A_2, %dma_wait3A_42] : memref<4000x80xi32, #tpu.memory_space<hbm>> -> memref<1x80xi32, #tpu.memory_space<hbm>>
      %dma_wait3A_44 = tpu.memref_squeeze %dma_wait3A_43 : memref<1x80xi32, #tpu.memory_space<hbm>> -> memref<80xi32, #tpu.memory_space<hbm>>
      %dma_wait3A_45 = arith.constant 0 : i32
      %dma_wait3A_46 = tpu.memref_slice %arg3[%mul3A_2, %dma_wait3A_45] : memref<4000x80xi32, #tpu.memory_space<hbm>> -> memref<1x80xi32, #tpu.memory_space<hbm>>
      %dma_wait3A_47 = tpu.memref_squeeze %dma_wait3A_46 : memref<1x80xi32, #tpu.memory_space<hbm>> -> memref<80xi32, #tpu.memory_space<hbm>>
      tpu.wait_dma2 semaphore(%run_scoped3A_35 : memref<!tpu.dma_semaphore, #tpu.memory_space<semaphore_mem>>) src(%dma_wait3A_47 : memref<80xi32, #tpu.memory_space<hbm>>) dst(%arg10 : memref<80xi32, #tpu.memory_space<vmem>>)
      tpu.yield
    }) : () -> ()
    %add3A_11 = arith.constant 1 : i32
    %add3A_12 = arith.addi %mul3A_2, %add3A_11 : i32
    "tpu.region"() ({
      %run_scoped3A_35 = tpu.sem_alloc : memref<!tpu.dma_semaphore, #tpu.memory_space<semaphore_mem>>
      %dma_start3A_36 = arith.constant 0 : i32
      %dma_start3A_37 = tpu.memref_slice %arg3[%add3A_12, %dma_start3A_36] : memref<4000x80xi32, #tpu.memory_space<hbm>> -> memref<1x80xi32, #tpu.memory_space<hbm>>
      %dma_start3A_38 = tpu.memref_squeeze %dma_start3A_37 : memref<1x80xi32, #tpu.memory_space<hbm>> -> memref<80xi32, #tpu.memory_space<hbm>>
      %dma_start3A_39 = arith.constant 0 : i32
      %dma_start3A_40 = tpu.memref_slice %arg3[%add3A_12, %dma_start3A_39] : memref<4000x80xi32, #tpu.memory_space<hbm>> -> memref<1x80xi32, #tpu.memory_space<hbm>>
      %dma_start3A_41 = tpu.memref_squeeze %dma_start3A_40 : memref<1x80xi32, #tpu.memory_space<hbm>> -> memref<80xi32, #tpu.memory_space<hbm>>
      tpu.enqueue_dma source(%dma_start3A_41 : memref<80xi32, #tpu.memory_space<hbm>>) target(%arg11 : memref<80xi32, #tpu.memory_space<vmem>>) target_semaphore(%run_scoped3A_35 : memref<!tpu.dma_semaphore, #tpu.memory_space<semaphore_mem>>)
      %dma_wait3A_42 = arith.constant 0 : i32
      %dma_wait3A_43 = tpu.memref_slice %arg3[%add3A_12, %dma_wait3A_42] : memref<4000x80xi32, #tpu.memory_space<hbm>> -> memref<1x80xi32, #tpu.memory_space<hbm>>
      %dma_wait3A_44 = tpu.memref_squeeze %dma_wait3A_43 : memref<1x80xi32, #tpu.memory_space<hbm>> -> memref<80xi32, #tpu.memory_space<hbm>>
      %dma_wait3A_45 = arith.constant 0 : i32
      %dma_wait3A_46 = tpu.memref_slice %arg3[%add3A_12, %dma_wait3A_45] : memref<4000x80xi32, #tpu.memory_space<hbm>> -> memref<1x80xi32, #tpu.memory_space<hbm>>
      %dma_wait3A_47 = tpu.memref_squeeze %dma_wait3A_46 : memref<1x80xi32, #tpu.memory_space<hbm>> -> memref<80xi32, #tpu.memory_space<hbm>>
      tpu.wait_dma2 semaphore(%run_scoped3A_35 : memref<!tpu.dma_semaphore, #tpu.memory_space<semaphore_mem>>) src(%dma_wait3A_47 : memref<80xi32, #tpu.memory_space<hbm>>) dst(%arg11 : memref<80xi32, #tpu.memory_space<vmem>>)
      tpu.yield
    }) : () -> ()
    %barrier3A = arith.constant 0 : index
    tpu.barrier barrier_id(%barrier3A)
    %dma_start3A = arith.constant 0 : i32
    %dma_start3A_13 = arith.constant 0 : i32
    %dma_start3A_14 = tpu.memref_slice %arg2[%dma_start3A, %dma_start3A_13] : memref<10000x128xf32, #tpu.memory_space<hbm>> -> memref<10000x128xf32, #tpu.memory_space<hbm>>
    tpu.enqueue_indirect_dma source(%dma_start3A_14 : memref<10000x128xf32, #tpu.memory_space<hbm>>) target(%arg13 : memref<80x128xf32, #tpu.memory_space<vmem>>) offsets(%arg10 : memref<80xi32, #tpu.memory_space<vmem>>) semaphore(%arg16 : memref<!tpu.dma_semaphore, #tpu.memory_space<semaphore_mem>>)
    %dma_start3A_15 = arith.constant 0 : i32
    %dma_start3A_16 = arith.constant 0 : i32
    %dma_start3A_17 = tpu.memref_slice %arg2[%dma_start3A_15, %dma_start3A_16] : memref<10000x128xf32, #tpu.memory_space<hbm>> -> memref<10000x128xf32, #tpu.memory_space<hbm>>
    tpu.enqueue_indirect_dma source(%dma_start3A_17 : memref<10000x128xf32, #tpu.memory_space<hbm>>) target(%arg14 : memref<80x128xf32, #tpu.memory_space<vmem>>) offsets(%arg11 : memref<80xi32, #tpu.memory_space<vmem>>) semaphore(%arg17 : memref<!tpu.dma_semaphore, #tpu.memory_space<semaphore_mem>>)
    %scan3A = arith.constant 0 : i32
    %scan3A_18 = arith.constant 0 : i32
    %scan3A_19 = arith.constant 62 : i32
    %scan3A_20 = arith.addi %scan3A_18, %scan3A_19 : i32
    %scan3A_21 = arith.constant 1 : i32
    scf.for %scan3A_35 = %scan3A_18 to %scan3A_20 step %scan3A_21  : i32 {
      %mul3A_36 = arith.constant 2 : i32
      %mul3A_37 = arith.muli %mul3A_36, %scan3A_35 : i32
      %dma_wait3A_38 = arith.constant 0 : i32
      %dma_wait3A_39 = arith.constant 0 : i32
      %dma_wait3A_40 = tpu.memref_slice %arg2[%dma_wait3A_38, %dma_wait3A_39] : memref<10000x128xf32, #tpu.memory_space<hbm>> -> memref<10000x128xf32, #tpu.memory_space<hbm>>
      tpu.wait_indirect_dma semaphore(%arg16 : memref<!tpu.dma_semaphore, #tpu.memory_space<semaphore_mem>>) src(%dma_wait3A_40 : memref<10000x128xf32, #tpu.memory_space<hbm>>) dst(%arg13 : memref<80x128xf32, #tpu.memory_space<vmem>>)
      %add3A_41 = arith.constant 2 : i32
      %add3A_42 = arith.addi %mul3A_37, %add3A_41 : i32
      %lt3A = arith.constant 125 : i32
      %lt3A_43 = arith.cmpi slt, %add3A_42, %lt3A : i32
      %convert_element_type3A = arith.extui %lt3A_43 : i1 to i32
      %cond3A = arith.constant 0 : i32
      %cond3A_44 = arith.cmpi ne, %convert_element_type3A, %cond3A : i32
      scf.if %cond3A_44 {
        %add3A_71 = arith.addi %mul3A_2, %mul3A_37 : i32
        %add3A_72 = arith.constant 2 : i32
        %add3A_73 = arith.addi %add3A_71, %add3A_72 : i32
        %dma_start3A_74 = arith.constant 0 : i32
        %dma_start3A_75 = tpu.memref_slice %arg3[%add3A_73, %dma_start3A_74] : memref<4000x80xi32, #tpu.memory_space<hbm>> -> memref<1x80xi32, #tpu.memory_space<hbm>>
        %dma_start3A_76 = tpu.memref_squeeze %dma_start3A_75 : memref<1x80xi32, #tpu.memory_space<hbm>> -> memref<80xi32, #tpu.memory_space<hbm>>
        %dma_start3A_77 = arith.constant 0 : i32
        %dma_start3A_78 = tpu.memref_slice %arg3[%add3A_73, %dma_start3A_77] : memref<4000x80xi32, #tpu.memory_space<hbm>> -> memref<1x80xi32, #tpu.memory_space<hbm>>
        %dma_start3A_79 = tpu.memref_squeeze %dma_start3A_78 : memref<1x80xi32, #tpu.memory_space<hbm>> -> memref<80xi32, #tpu.memory_space<hbm>>
        tpu.enqueue_dma source(%dma_start3A_79 : memref<80xi32, #tpu.memory_space<hbm>>) target(%arg10 : memref<80xi32, #tpu.memory_space<vmem>>) target_semaphore(%arg18 : memref<!tpu.dma_semaphore, #tpu.memory_space<semaphore_mem>>)
      } else {
      }
      "tpu.region"() ({
        %run_scoped3A_71 = tpu.sem_alloc : memref<!tpu.dma_semaphore, #tpu.memory_space<semaphore_mem>>
        %dma_start3A_72 = arith.constant 0 : i32
        %dma_start3A_73 = tpu.memref_slice %arg12[%mul3A_37, %dma_start3A_72] : memref<125x80xi32, #tpu.memory_space<vmem>> -> memref<1x80xi32, #tpu.memory_space<vmem>>
        %dma_start3A_74 = tpu.memref_squeeze %dma_start3A_73 : memref<1x80xi32, #tpu.memory_space<vmem>> -> memref<80xi32, #tpu.memory_space<vmem>>
        %dma_start3A_75 = arith.constant 0 : i32
        %dma_start3A_76 = arith.constant 0 : i32
        %dma_start3A_77 = tpu.memref_slice %arg15[%dma_start3A_75, %dma_start3A_76] : memref<10000x128xf32, #tpu.memory_space<vmem_shared>> -> memref<10000x128xf32, #tpu.memory_space<vmem_shared>>
        tpu.enqueue_indirect_dma source(%arg13 : memref<80x128xf32, #tpu.memory_space<vmem>>) target(%dma_start3A_77 : memref<10000x128xf32, #tpu.memory_space<vmem_shared>>) offsets(%dma_start3A_74 : memref<80xi32, #tpu.memory_space<vmem>>) semaphore(%run_scoped3A_71 : memref<!tpu.dma_semaphore, #tpu.memory_space<semaphore_mem>>) {add = true}
        %dma_wait3A_78 = arith.constant 0 : i32
        %dma_wait3A_79 = tpu.memref_slice %arg12[%mul3A_37, %dma_wait3A_78] : memref<125x80xi32, #tpu.memory_space<vmem>> -> memref<1x80xi32, #tpu.memory_space<vmem>>
        %dma_wait3A_80 = tpu.memref_squeeze %dma_wait3A_79 : memref<1x80xi32, #tpu.memory_space<vmem>> -> memref<80xi32, #tpu.memory_space<vmem>>
        %dma_wait3A_81 = arith.constant 0 : i32
        %dma_wait3A_82 = arith.constant 0 : i32
        %dma_wait3A_83 = tpu.memref_slice %arg15[%dma_wait3A_81, %dma_wait3A_82] : memref<10000x128xf32, #tpu.memory_space<vmem_shared>> -> memref<10000x128xf32, #tpu.memory_space<vmem_shared>>
        tpu.wait_indirect_dma semaphore(%run_scoped3A_71 : memref<!tpu.dma_semaphore, #tpu.memory_space<semaphore_mem>>) src(%arg13 : memref<80x128xf32, #tpu.memory_space<vmem>>) dst(%dma_wait3A_83 : memref<10000x128xf32, #tpu.memory_space<vmem_shared>>)
        tpu.yield
      }) : () -> ()
      "tpu.region"() ({
        %run_scoped3A_71 = tpu.sem_alloc : memref<!tpu.dma_semaphore, #tpu.memory_space<semaphore_mem>>
        %dma_start3A_72 = arith.constant 0 : i32
        %dma_start3A_73 = tpu.memref_slice %arg12[%mul3A_37, %dma_start3A_72] : memref<125x80xi32, #tpu.memory_space<vmem>> -> memref<1x80xi32, #tpu.memory_space<vmem>>
        %dma_start3A_74 = tpu.memref_squeeze %dma_start3A_73 : memref<1x80xi32, #tpu.memory_space<vmem>> -> memref<80xi32, #tpu.memory_space<vmem>>
        %dma_start3A_75 = arith.constant 0 : i32
        %dma_start3A_76 = arith.constant 0 : i32
        %dma_start3A_77 = tpu.memref_slice %arg21[%dma_start3A_75, %dma_start3A_76] : memref<10000x16xf32, #tpu.memory_space<vmem_shared>> -> memref<10000x16xf32, #tpu.memory_space<vmem_shared>>
        tpu.enqueue_indirect_dma source(%arg20 : memref<80x16xf32, #tpu.memory_space<vmem>>) target(%dma_start3A_77 : memref<10000x16xf32, #tpu.memory_space<vmem_shared>>) offsets(%dma_start3A_74 : memref<80xi32, #tpu.memory_space<vmem>>) semaphore(%run_scoped3A_71 : memref<!tpu.dma_semaphore, #tpu.memory_space<semaphore_mem>>) {add = true}
        %dma_wait3A_78 = arith.constant 0 : i32
        %dma_wait3A_79 = tpu.memref_slice %arg12[%mul3A_37, %dma_wait3A_78] : memref<125x80xi32, #tpu.memory_space<vmem>> -> memref<1x80xi32, #tpu.memory_space<vmem>>
        %dma_wait3A_80 = tpu.memref_squeeze %dma_wait3A_79 : memref<1x80xi32, #tpu.memory_space<vmem>> -> memref<80xi32, #tpu.memory_space<vmem>>
        %dma_wait3A_81 = arith.constant 0 : i32
        %dma_wait3A_82 = arith.constant 0 : i32
        %dma_wait3A_83 = tpu.memref_slice %arg21[%dma_wait3A_81, %dma_wait3A_82] : memref<10000x16xf32, #tpu.memory_space<vmem_shared>> -> memref<10000x16xf32, #tpu.memory_space<vmem_shared>>
        tpu.wait_indirect_dma semaphore(%run_scoped3A_71 : memref<!tpu.dma_semaphore, #tpu.memory_space<semaphore_mem>>) src(%arg20 : memref<80x16xf32, #tpu.memory_space<vmem>>) dst(%dma_wait3A_83 : memref<10000x16xf32, #tpu.memory_space<vmem_shared>>)
        tpu.yield
      }) : () -> ()
      %add3A_45 = arith.constant 2 : i32
      %add3A_46 = arith.addi %mul3A_37, %add3A_45 : i32
      %lt3A_47 = arith.constant 125 : i32
      %lt3A_48 = arith.cmpi slt, %add3A_46, %lt3A_47 : i32
      %convert_element_type3A_49 = arith.extui %lt3A_48 : i1 to i32
      %cond3A_50 = arith.constant 0 : i32
      %cond3A_51 = arith.cmpi ne, %convert_element_type3A_49, %cond3A_50 : i32
      scf.if %cond3A_51 {
        %add3A_71 = arith.addi %mul3A_2, %mul3A_37 : i32
        %add3A_72 = arith.constant 2 : i32
        %add3A_73 = arith.addi %add3A_71, %add3A_72 : i32
        %dma_wait3A_74 = arith.constant 0 : i32
        %dma_wait3A_75 = tpu.memref_slice %arg3[%add3A_73, %dma_wait3A_74] : memref<4000x80xi32, #tpu.memory_space<hbm>> -> memref<1x80xi32, #tpu.memory_space<hbm>>
        %dma_wait3A_76 = tpu.memref_squeeze %dma_wait3A_75 : memref<1x80xi32, #tpu.memory_space<hbm>> -> memref<80xi32, #tpu.memory_space<hbm>>
        %dma_wait3A_77 = arith.constant 0 : i32
        %dma_wait3A_78 = tpu.memref_slice %arg3[%add3A_73, %dma_wait3A_77] : memref<4000x80xi32, #tpu.memory_space<hbm>> -> memref<1x80xi32, #tpu.memory_space<hbm>>
        %dma_wait3A_79 = tpu.memref_squeeze %dma_wait3A_78 : memref<1x80xi32, #tpu.memory_space<hbm>> -> memref<80xi32, #tpu.memory_space<hbm>>
        tpu.wait_dma2 semaphore(%arg18 : memref<!tpu.dma_semaphore, #tpu.memory_space<semaphore_mem>>) src(%dma_wait3A_79 : memref<80xi32, #tpu.memory_space<hbm>>) dst(%arg10 : memref<80xi32, #tpu.memory_space<vmem>>)
        %dma_start3A_80 = arith.constant 0 : i32
        %dma_start3A_81 = arith.constant 0 : i32
        %dma_start3A_82 = tpu.memref_slice %arg2[%dma_start3A_80, %dma_start3A_81] : memref<10000x128xf32, #tpu.memory_space<hbm>> -> memref<10000x128xf32, #tpu.memory_space<hbm>>
        tpu.enqueue_indirect_dma source(%dma_start3A_82 : memref<10000x128xf32, #tpu.memory_space<hbm>>) target(%arg13 : memref<80x128xf32, #tpu.memory_space<vmem>>) offsets(%arg10 : memref<80xi32, #tpu.memory_space<vmem>>) semaphore(%arg16 : memref<!tpu.dma_semaphore, #tpu.memory_space<semaphore_mem>>)
      } else {
      }
      %add3A_52 = arith.constant 1 : i32
      %add3A_53 = arith.addi %mul3A_37, %add3A_52 : i32
      %dma_wait3A_54 = arith.constant 0 : i32
      %dma_wait3A_55 = arith.constant 0 : i32
      %dma_wait3A_56 = tpu.memref_slice %arg2[%dma_wait3A_54, %dma_wait3A_55] : memref<10000x128xf32, #tpu.memory_space<hbm>> -> memref<10000x128xf32, #tpu.memory_space<hbm>>
      tpu.wait_indirect_dma semaphore(%arg17 : memref<!tpu.dma_semaphore, #tpu.memory_space<semaphore_mem>>) src(%dma_wait3A_56 : memref<10000x128xf32, #tpu.memory_space<hbm>>) dst(%arg14 : memref<80x128xf32, #tpu.memory_space<vmem>>)
      %add3A_57 = arith.constant 2 : i32
      %add3A_58 = arith.addi %add3A_53, %add3A_57 : i32
      %lt3A_59 = arith.constant 125 : i32
      %lt3A_60 = arith.cmpi slt, %add3A_58, %lt3A_59 : i32
      %convert_element_type3A_61 = arith.extui %lt3A_60 : i1 to i32
      %cond3A_62 = arith.constant 0 : i32
      %cond3A_63 = arith.cmpi ne, %convert_element_type3A_61, %cond3A_62 : i32
      scf.if %cond3A_63 {
        %add3A_71 = arith.addi %mul3A_2, %add3A_53 : i32
        %add3A_72 = arith.constant 2 : i32
        %add3A_73 = arith.addi %add3A_71, %add3A_72 : i32
        %dma_start3A_74 = arith.constant 0 : i32
        %dma_start3A_75 = tpu.memref_slice %arg3[%add3A_73, %dma_start3A_74] : memref<4000x80xi32, #tpu.memory_space<hbm>> -> memref<1x80xi32, #tpu.memory_space<hbm>>
        %dma_start3A_76 = tpu.memref_squeeze %dma_start3A_75 : memref<1x80xi32, #tpu.memory_space<hbm>> -> memref<80xi32, #tpu.memory_space<hbm>>
        %dma_start3A_77 = arith.constant 0 : i32
        %dma_start3A_78 = tpu.memref_slice %arg3[%add3A_73, %dma_start3A_77] : memref<4000x80xi32, #tpu.memory_space<hbm>> -> memref<1x80xi32, #tpu.memory_space<hbm>>
        %dma_start3A_79 = tpu.memref_squeeze %dma_start3A_78 : memref<1x80xi32, #tpu.memory_space<hbm>> -> memref<80xi32, #tpu.memory_space<hbm>>
        tpu.enqueue_dma source(%dma_start3A_79 : memref<80xi32, #tpu.memory_space<hbm>>) target(%arg11 : memref<80xi32, #tpu.memory_space<vmem>>) target_semaphore(%arg19 : memref<!tpu.dma_semaphore, #tpu.memory_space<semaphore_mem>>)
      } else {
      }
      "tpu.region"() ({
        %run_scoped3A_71 = tpu.sem_alloc : memref<!tpu.dma_semaphore, #tpu.memory_space<semaphore_mem>>
        %dma_start3A_72 = arith.constant 0 : i32
        %dma_start3A_73 = tpu.memref_slice %arg12[%add3A_53, %dma_start3A_72] : memref<125x80xi32, #tpu.memory_space<vmem>> -> memref<1x80xi32, #tpu.memory_space<vmem>>
        %dma_start3A_74 = tpu.memref_squeeze %dma_start3A_73 : memref<1x80xi32, #tpu.memory_space<vmem>> -> memref<80xi32, #tpu.memory_space<vmem>>
        %dma_start3A_75 = arith.constant 0 : i32
        %dma_start3A_76 = arith.constant 0 : i32
        %dma_start3A_77 = tpu.memref_slice %arg15[%dma_start3A_75, %dma_start3A_76] : memref<10000x128xf32, #tpu.memory_space<vmem_shared>> -> memref<10000x128xf32, #tpu.memory_space<vmem_shared>>
        tpu.enqueue_indirect_dma source(%arg14 : memref<80x128xf32, #tpu.memory_space<vmem>>) target(%dma_start3A_77 : memref<10000x128xf32, #tpu.memory_space<vmem_shared>>) offsets(%dma_start3A_74 : memref<80xi32, #tpu.memory_space<vmem>>) semaphore(%run_scoped3A_71 : memref<!tpu.dma_semaphore, #tpu.memory_space<semaphore_mem>>) {add = true}
        %dma_wait3A_78 = arith.constant 0 : i32
        %dma_wait3A_79 = tpu.memref_slice %arg12[%add3A_53, %dma_wait3A_78] : memref<125x80xi32, #tpu.memory_space<vmem>> -> memref<1x80xi32, #tpu.memory_space<vmem>>
        %dma_wait3A_80 = tpu.memref_squeeze %dma_wait3A_79 : memref<1x80xi32, #tpu.memory_space<vmem>> -> memref<80xi32, #tpu.memory_space<vmem>>
        %dma_wait3A_81 = arith.constant 0 : i32
        %dma_wait3A_82 = arith.constant 0 : i32
        %dma_wait3A_83 = tpu.memref_slice %arg15[%dma_wait3A_81, %dma_wait3A_82] : memref<10000x128xf32, #tpu.memory_space<vmem_shared>> -> memref<10000x128xf32, #tpu.memory_space<vmem_shared>>
        tpu.wait_indirect_dma semaphore(%run_scoped3A_71 : memref<!tpu.dma_semaphore, #tpu.memory_space<semaphore_mem>>) src(%arg14 : memref<80x128xf32, #tpu.memory_space<vmem>>) dst(%dma_wait3A_83 : memref<10000x128xf32, #tpu.memory_space<vmem_shared>>)
        tpu.yield
      }) : () -> ()
      "tpu.region"() ({
        %run_scoped3A_71 = tpu.sem_alloc : memref<!tpu.dma_semaphore, #tpu.memory_space<semaphore_mem>>
        %dma_start3A_72 = arith.constant 0 : i32
        %dma_start3A_73 = tpu.memref_slice %arg12[%add3A_53, %dma_start3A_72] : memref<125x80xi32, #tpu.memory_space<vmem>> -> memref<1x80xi32, #tpu.memory_space<vmem>>
        %dma_start3A_74 = tpu.memref_squeeze %dma_start3A_73 : memref<1x80xi32, #tpu.memory_space<vmem>> -> memref<80xi32, #tpu.memory_space<vmem>>
        %dma_start3A_75 = arith.constant 0 : i32
        %dma_start3A_76 = arith.constant 0 : i32
        %dma_start3A_77 = tpu.memref_slice %arg21[%dma_start3A_75, %dma_start3A_76] : memref<10000x16xf32, #tpu.memory_space<vmem_shared>> -> memref<10000x16xf32, #tpu.memory_space<vmem_shared>>
        tpu.enqueue_indirect_dma source(%arg20 : memref<80x16xf32, #tpu.memory_space<vmem>>) target(%dma_start3A_77 : memref<10000x16xf32, #tpu.memory_space<vmem_shared>>) offsets(%dma_start3A_74 : memref<80xi32, #tpu.memory_space<vmem>>) semaphore(%run_scoped3A_71 : memref<!tpu.dma_semaphore, #tpu.memory_space<semaphore_mem>>) {add = true}
        %dma_wait3A_78 = arith.constant 0 : i32
        %dma_wait3A_79 = tpu.memref_slice %arg12[%add3A_53, %dma_wait3A_78] : memref<125x80xi32, #tpu.memory_space<vmem>> -> memref<1x80xi32, #tpu.memory_space<vmem>>
        %dma_wait3A_80 = tpu.memref_squeeze %dma_wait3A_79 : memref<1x80xi32, #tpu.memory_space<vmem>> -> memref<80xi32, #tpu.memory_space<vmem>>
        %dma_wait3A_81 = arith.constant 0 : i32
        %dma_wait3A_82 = arith.constant 0 : i32
        %dma_wait3A_83 = tpu.memref_slice %arg21[%dma_wait3A_81, %dma_wait3A_82] : memref<10000x16xf32, #tpu.memory_space<vmem_shared>> -> memref<10000x16xf32, #tpu.memory_space<vmem_shared>>
        tpu.wait_indirect_dma semaphore(%run_scoped3A_71 : memref<!tpu.dma_semaphore, #tpu.memory_space<semaphore_mem>>) src(%arg20 : memref<80x16xf32, #tpu.memory_space<vmem>>) dst(%dma_wait3A_83 : memref<10000x16xf32, #tpu.memory_space<vmem_shared>>)
        tpu.yield
      }) : () -> ()
      %add3A_64 = arith.constant 2 : i32
      %add3A_65 = arith.addi %add3A_53, %add3A_64 : i32
      %lt3A_66 = arith.constant 125 : i32
      %lt3A_67 = arith.cmpi slt, %add3A_65, %lt3A_66 : i32
      %convert_element_type3A_68 = arith.extui %lt3A_67 : i1 to i32
      %cond3A_69 = arith.constant 0 : i32
      %cond3A_70 = arith.cmpi ne, %convert_element_type3A_68, %cond3A_69 : i32
      scf.if %cond3A_70 {
        %add3A_71 = arith.addi %mul3A_2, %add3A_53 : i32
        %add3A_72 = arith.constant 2 : i32
        %add3A_73 = arith.addi %add3A_71, %add3A_72 : i32
        %dma_wait3A_74 = arith.constant 0 : i32
        %dma_wait3A_75 = tpu.memref_slice %arg3[%add3A_73, %dma_wait3A_74] : memref<4000x80xi32, #tpu.memory_space<hbm>> -> memref<1x80xi32, #tpu.memory_space<hbm>>
        %dma_wait3A_76 = tpu.memref_squeeze %dma_wait3A_75 : memref<1x80xi32, #tpu.memory_space<hbm>> -> memref<80xi32, #tpu.memory_space<hbm>>
        %dma_wait3A_77 = arith.constant 0 : i32
        %dma_wait3A_78 = tpu.memref_slice %arg3[%add3A_73, %dma_wait3A_77] : memref<4000x80xi32, #tpu.memory_space<hbm>> -> memref<1x80xi32, #tpu.memory_space<hbm>>
        %dma_wait3A_79 = tpu.memref_squeeze %dma_wait3A_78 : memref<1x80xi32, #tpu.memory_space<hbm>> -> memref<80xi32, #tpu.memory_space<hbm>>
        tpu.wait_dma2 semaphore(%arg19 : memref<!tpu.dma_semaphore, #tpu.memory_space<semaphore_mem>>) src(%dma_wait3A_79 : memref<80xi32, #tpu.memory_space<hbm>>) dst(%arg11 : memref<80xi32, #tpu.memory_space<vmem>>)
        %dma_start3A_80 = arith.constant 0 : i32
        %dma_start3A_81 = arith.constant 0 : i32
        %dma_start3A_82 = tpu.memref_slice %arg2[%dma_start3A_80, %dma_start3A_81] : memref<10000x128xf32, #tpu.memory_space<hbm>> -> memref<10000x128xf32, #tpu.memory_space<hbm>>
        tpu.enqueue_indirect_dma source(%dma_start3A_82 : memref<10000x128xf32, #tpu.memory_space<hbm>>) target(%arg14 : memref<80x128xf32, #tpu.memory_space<vmem>>) offsets(%arg11 : memref<80xi32, #tpu.memory_space<vmem>>) semaphore(%arg17 : memref<!tpu.dma_semaphore, #tpu.memory_space<semaphore_mem>>)
      } else {
      }
    }
    %scan3A_22 = arith.constant 62 : i32
    %dma_wait3A = arith.constant 0 : i32
    %dma_wait3A_23 = arith.constant 0 : i32
    %dma_wait3A_24 = tpu.memref_slice %arg2[%dma_wait3A, %dma_wait3A_23] : memref<10000x128xf32, #tpu.memory_space<hbm>> -> memref<10000x128xf32, #tpu.memory_space<hbm>>
    tpu.wait_indirect_dma semaphore(%arg16 : memref<!tpu.dma_semaphore, #tpu.memory_space<semaphore_mem>>) src(%dma_wait3A_24 : memref<10000x128xf32, #tpu.memory_space<hbm>>) dst(%arg13 : memref<80x128xf32, #tpu.memory_space<vmem>>)
    %run_scoped3A = arith.constant 124 : i32
    "tpu.region"() ({
      %run_scoped3A_35 = tpu.sem_alloc : memref<!tpu.dma_semaphore, #tpu.memory_space<semaphore_mem>>
      %dma_start3A_36 = arith.constant 0 : i32
      %dma_start3A_37 = tpu.memref_slice %arg12[%run_scoped3A, %dma_start3A_36] : memref<125x80xi32, #tpu.memory_space<vmem>> -> memref<1x80xi32, #tpu.memory_space<vmem>>
      %dma_start3A_38 = tpu.memref_squeeze %dma_start3A_37 : memref<1x80xi32, #tpu.memory_space<vmem>> -> memref<80xi32, #tpu.memory_space<vmem>>
      %dma_start3A_39 = arith.constant 0 : i32
      %dma_start3A_40 = arith.constant 0 : i32
      %dma_start3A_41 = tpu.memref_slice %arg15[%dma_start3A_39, %dma_start3A_40] : memref<10000x128xf32, #tpu.memory_space<vmem_shared>> -> memref<10000x128xf32, #tpu.memory_space<vmem_shared>>
      tpu.enqueue_indirect_dma source(%arg13 : memref<80x128xf32, #tpu.memory_space<vmem>>) target(%dma_start3A_41 : memref<10000x128xf32, #tpu.memory_space<vmem_shared>>) offsets(%dma_start3A_38 : memref<80xi32, #tpu.memory_space<vmem>>) semaphore(%run_scoped3A_35 : memref<!tpu.dma_semaphore, #tpu.memory_space<semaphore_mem>>) {add = true}
      %dma_wait3A_42 = arith.constant 0 : i32
      %dma_wait3A_43 = tpu.memref_slice %arg12[%run_scoped3A, %dma_wait3A_42] : memref<125x80xi32, #tpu.memory_space<vmem>> -> memref<1x80xi32, #tpu.memory_space<vmem>>
      %dma_wait3A_44 = tpu.memref_squeeze %dma_wait3A_43 : memref<1x80xi32, #tpu.memory_space<vmem>> -> memref<80xi32, #tpu.memory_space<vmem>>
      %dma_wait3A_45 = arith.constant 0 : i32
      %dma_wait3A_46 = arith.constant 0 : i32
      %dma_wait3A_47 = tpu.memref_slice %arg15[%dma_wait3A_45, %dma_wait3A_46] : memref<10000x128xf32, #tpu.memory_space<vmem_shared>> -> memref<10000x128xf32, #tpu.memory_space<vmem_shared>>
      tpu.wait_indirect_dma semaphore(%run_scoped3A_35 : memref<!tpu.dma_semaphore, #tpu.memory_space<semaphore_mem>>) src(%arg13 : memref<80x128xf32, #tpu.memory_space<vmem>>) dst(%dma_wait3A_47 : memref<10000x128xf32, #tpu.memory_space<vmem_shared>>)
      tpu.yield
    }) : () -> ()
    %run_scoped3A_25 = arith.constant 124 : i32
    "tpu.region"() ({
      %run_scoped3A_35 = tpu.sem_alloc : memref<!tpu.dma_semaphore, #tpu.memory_space<semaphore_mem>>
      %dma_start3A_36 = arith.constant 0 : i32
      %dma_start3A_37 = tpu.memref_slice %arg12[%run_scoped3A_25, %dma_start3A_36] : memref<125x80xi32, #tpu.memory_space<vmem>> -> memref<1x80xi32, #tpu.memory_space<vmem>>
      %dma_start3A_38 = tpu.memref_squeeze %dma_start3A_37 : memref<1x80xi32, #tpu.memory_space<vmem>> -> memref<80xi32, #tpu.memory_space<vmem>>
      %dma_start3A_39 = arith.constant 0 : i32
      %dma_start3A_40 = arith.constant 0 : i32
      %dma_start3A_41 = tpu.memref_slice %arg21[%dma_start3A_39, %dma_start3A_40] : memref<10000x16xf32, #tpu.memory_space<vmem_shared>> -> memref<10000x16xf32, #tpu.memory_space<vmem_shared>>
      tpu.enqueue_indirect_dma source(%arg20 : memref<80x16xf32, #tpu.memory_space<vmem>>) target(%dma_start3A_41 : memref<10000x16xf32, #tpu.memory_space<vmem_shared>>) offsets(%dma_start3A_38 : memref<80xi32, #tpu.memory_space<vmem>>) semaphore(%run_scoped3A_35 : memref<!tpu.dma_semaphore, #tpu.memory_space<semaphore_mem>>) {add = true}
      %dma_wait3A_42 = arith.constant 0 : i32
      %dma_wait3A_43 = tpu.memref_slice %arg12[%run_scoped3A_25, %dma_wait3A_42] : memref<125x80xi32, #tpu.memory_space<vmem>> -> memref<1x80xi32, #tpu.memory_space<vmem>>
      %dma_wait3A_44 = tpu.memref_squeeze %dma_wait3A_43 : memref<1x80xi32, #tpu.memory_space<vmem>> -> memref<80xi32, #tpu.memory_space<vmem>>
      %dma_wait3A_45 = arith.constant 0 : i32
      %dma_wait3A_46 = arith.constant 0 : i32
      %dma_wait3A_47 = tpu.memref_slice %arg21[%dma_wait3A_45, %dma_wait3A_46] : memref<10000x16xf32, #tpu.memory_space<vmem_shared>> -> memref<10000x16xf32, #tpu.memory_space<vmem_shared>>
      tpu.wait_indirect_dma semaphore(%run_scoped3A_35 : memref<!tpu.dma_semaphore, #tpu.memory_space<semaphore_mem>>) src(%arg20 : memref<80x16xf32, #tpu.memory_space<vmem>>) dst(%dma_wait3A_47 : memref<10000x16xf32, #tpu.memory_space<vmem_shared>>)
      tpu.yield
    }) : () -> ()
    %barrier3A_26 = arith.constant 0 : index
    tpu.barrier barrier_id(%barrier3A_26)
    %mul3A_27 = arith.constant 625 : i32
    %mul3A_28 = arith.muli %arg1, %mul3A_27 : i32
    %mul3A_29 = arith.constant 625 : i32
    %mul3A_30 = arith.muli %arg1, %mul3A_29 : i32
    "tpu.region"() ({
      %run_scoped3A_35 = tpu.sem_alloc : memref<!tpu.dma_semaphore, #tpu.memory_space<semaphore_mem>>
      %dma_start3A_36 = arith.constant 0 : i32
      %dma_start3A_37 = tpu.memref_slice %arg8[%arg0, %mul3A_30, %dma_start3A_36] : memref<2x10000x128xf32, #tpu.memory_space<hbm>> -> memref<1x625x128xf32, #tpu.memory_space<hbm>>
      %dma_start3A_38 = tpu.memref_squeeze %dma_start3A_37 : memref<1x625x128xf32, #tpu.memory_space<hbm>> -> memref<625x128xf32, #tpu.memory_space<hbm>>
      %dma_start3A_39 = arith.constant 0 : i32
      %dma_start3A_40 = tpu.memref_slice %arg15[%mul3A_28, %dma_start3A_39] : memref<10000x128xf32, #tpu.memory_space<vmem_shared>> -> memref<625x128xf32, #tpu.memory_space<vmem_shared>>
      tpu.enqueue_dma source(%dma_start3A_40 : memref<625x128xf32, #tpu.memory_space<vmem_shared>>) target(%dma_start3A_38 : memref<625x128xf32, #tpu.memory_space<hbm>>) target_semaphore(%run_scoped3A_35 : memref<!tpu.dma_semaphore, #tpu.memory_space<semaphore_mem>>)
      %dma_wait3A_41 = arith.constant 0 : i32
      %dma_wait3A_42 = tpu.memref_slice %arg8[%arg0, %mul3A_30, %dma_wait3A_41] : memref<2x10000x128xf32, #tpu.memory_space<hbm>> -> memref<1x625x128xf32, #tpu.memory_space<hbm>>
      %dma_wait3A_43 = tpu.memref_squeeze %dma_wait3A_42 : memref<1x625x128xf32, #tpu.memory_space<hbm>> -> memref<625x128xf32, #tpu.memory_space<hbm>>
      %dma_wait3A_44 = arith.constant 0 : i32
      %dma_wait3A_45 = tpu.memref_slice %arg15[%mul3A_28, %dma_wait3A_44] : memref<10000x128xf32, #tpu.memory_space<vmem_shared>> -> memref<625x128xf32, #tpu.memory_space<vmem_shared>>
      tpu.wait_dma2 semaphore(%run_scoped3A_35 : memref<!tpu.dma_semaphore, #tpu.memory_space<semaphore_mem>>) src(%dma_wait3A_45 : memref<625x128xf32, #tpu.memory_space<vmem_shared>>) dst(%dma_wait3A_43 : memref<625x128xf32, #tpu.memory_space<hbm>>)
      tpu.yield
    }) : () -> ()
    %mul3A_31 = arith.constant 625 : i32
    %mul3A_32 = arith.muli %arg1, %mul3A_31 : i32
    %mul3A_33 = arith.constant 625 : i32
    %mul3A_34 = arith.muli %arg1, %mul3A_33 : i32
    "tpu.region"() ({
      %run_scoped3A_35 = tpu.sem_alloc : memref<!tpu.dma_semaphore, #tpu.memory_space<semaphore_mem>>
      %dma_start3A_36 = arith.constant 0 : i32
      %dma_start3A_37 = tpu.memref_slice %arg9[%arg0, %mul3A_34, %dma_start3A_36] : memref<2x10000x16xf32, #tpu.memory_space<hbm>> -> memref<1x625x16xf32, #tpu.memory_space<hbm>>
      %dma_start3A_38 = tpu.memref_squeeze %dma_start3A_37 : memref<1x625x16xf32, #tpu.memory_space<hbm>> -> memref<625x16xf32, #tpu.memory_space<hbm>>
      %dma_start3A_39 = arith.constant 0 : i32
      %dma_start3A_40 = tpu.memref_slice %arg21[%mul3A_32, %dma_start3A_39] : memref<10000x16xf32, #tpu.memory_space<vmem_shared>> -> memref<625x16xf32, #tpu.memory_space<vmem_shared>>
      tpu.enqueue_dma source(%dma_start3A_40 : memref<625x16xf32, #tpu.memory_space<vmem_shared>>) target(%dma_start3A_38 : memref<625x16xf32, #tpu.memory_space<hbm>>) target_semaphore(%run_scoped3A_35 : memref<!tpu.dma_semaphore, #tpu.memory_space<semaphore_mem>>)
      %dma_wait3A_41 = arith.constant 0 : i32
      %dma_wait3A_42 = tpu.memref_slice %arg9[%arg0, %mul3A_34, %dma_wait3A_41] : memref<2x10000x16xf32, #tpu.memory_space<hbm>> -> memref<1x625x16xf32, #tpu.memory_space<hbm>>
      %dma_wait3A_43 = tpu.memref_squeeze %dma_wait3A_42 : memref<1x625x16xf32, #tpu.memory_space<hbm>> -> memref<625x16xf32, #tpu.memory_space<hbm>>
      %dma_wait3A_44 = arith.constant 0 : i32
      %dma_wait3A_45 = tpu.memref_slice %arg21[%mul3A_32, %dma_wait3A_44] : memref<10000x16xf32, #tpu.memory_space<vmem_shared>> -> memref<625x16xf32, #tpu.memory_space<vmem_shared>>
      tpu.wait_dma2 semaphore(%run_scoped3A_35 : memref<!tpu.dma_semaphore, #tpu.memory_space<semaphore_mem>>) src(%dma_wait3A_45 : memref<625x16xf32, #tpu.memory_space<vmem_shared>>) dst(%dma_wait3A_43 : memref<625x16xf32, #tpu.memory_space<hbm>>)
      tpu.yield
    }) : () -> ()
    return
  }
}

module attributes {stable_mosaic.version = 14 : i64} {
  func.func @body(%arg0: i32, %arg1: memref<1000x128xf32, #tpu.memory_space<vmem>>, %arg2: memref<2x1000x128xf32, #tpu.memory_space<vmem>>, %arg3: memref<2x1000x16xf32, #tpu.memory_space<vmem>>, %arg4: memref<128x256xf32, #tpu.memory_space<vmem>>, %arg5: memref<128x256xf32, #tpu.memory_space<vmem>>, %arg6: memref<1x256xf32, #tpu.memory_space<vmem>>, %arg7: memref<256x128xf32, #tpu.memory_space<vmem>>, %arg8: memref<1000x256xf32, #tpu.memory_space<vmem>>, %arg9: memref<1000x128xf32, #tpu.memory_space<vmem>>, %arg10: memref<1000x1xf32, #tpu.memory_space<vmem>>) attributes {dimension_semantics = [#tpu.dimension_semantics<arbitrary>], iteration_bounds = array<i64: 10>, scalar_prefetch = 0 : i64, scratch_operands = 0 : i64, tpu.core_type = #tpu.core_type<tc>, window_params = [{transform_indices = @transform_0, window_bounds = array<i64: 1000, 128>}, {transform_indices = @transform_1, window_bounds = array<i64: 2, 1000, 128>}, {transform_indices = @transform_2, window_bounds = array<i64: 2, 1000, 16>}, {pipeline_mode = #tpu.pipeline_mode<synchronous>, transform_indices = @transform_3, window_bounds = array<i64: 128, 256>}, {pipeline_mode = #tpu.pipeline_mode<synchronous>, transform_indices = @transform_4, window_bounds = array<i64: 128, 256>}, {pipeline_mode = #tpu.pipeline_mode<synchronous>, transform_indices = @transform_5, window_bounds = array<i64: 1, 256>}, {pipeline_mode = #tpu.pipeline_mode<synchronous>, transform_indices = @transform_6, window_bounds = array<i64: 256, 128>}, {transform_indices = @transform_7, window_bounds = array<i64: 1000, 256>}, {transform_indices = @transform_8, window_bounds = array<i64: 1000, 128>}, {transform_indices = @transform_9, window_bounds = array<i64: 1000, 1>}]} {
    %get3A = arith.constant 0 : index
    %get3A_0 = arith.constant 0 : index
    %get3A_1 = arith.constant 0 : index
    %get3A_2 = vector.load %arg2[%get3A, %get3A_0, %get3A_1] : memref<2x1000x128xf32, #tpu.memory_space<vmem>>, vector<1x1000x128xf32>
    %get3A_3 = vector.shape_cast %get3A_2 : vector<1x1000x128xf32> to vector<1000x128xf32>
    %get3A_4 = arith.constant 1 : index
    %get3A_5 = arith.constant 0 : index
    %get3A_6 = arith.constant 0 : index
    %get3A_7 = vector.load %arg2[%get3A_4, %get3A_5, %get3A_6] : memref<2x1000x128xf32, #tpu.memory_space<vmem>>, vector<1x1000x128xf32>
    %get3A_8 = vector.shape_cast %get3A_7 : vector<1x1000x128xf32> to vector<1000x128xf32>
    %add3A = arith.addf %get3A_3, %get3A_8 : vector<1000x128xf32>
    %get3A_9 = arith.constant 0 : index
    %get3A_10 = arith.constant 0 : index
    %get3A_11 = arith.constant 0 : index
    %get3A_12 = vector.load %arg3[%get3A_9, %get3A_10, %get3A_11] : memref<2x1000x16xf32, #tpu.memory_space<vmem>>, vector<1x1000x1xf32>
    %get3A_13 = vector.shape_cast %get3A_12 : vector<1x1000x1xf32> to vector<1000x1xf32>
    %get3A_14 = arith.constant 1 : index
    %get3A_15 = arith.constant 0 : index
    %get3A_16 = arith.constant 0 : index
    %get3A_17 = vector.load %arg3[%get3A_14, %get3A_15, %get3A_16] : memref<2x1000x16xf32, #tpu.memory_space<vmem>>, vector<1x1000x1xf32>
    %get3A_18 = vector.shape_cast %get3A_17 : vector<1x1000x1xf32> to vector<1000x1xf32>
    %add3A_19 = arith.addf %get3A_13, %get3A_18 : vector<1000x1xf32>
    %max3A = arith.constant 1.000000e+00 : f32
    %max3A_20 = vector.broadcast %max3A : f32 to vector<1000x1xf32>
    %max3A_21 = arith.maximumf %add3A_19, %max3A_20 : vector<1000x1xf32>
    %div3A = arith.constant 1.000000e+00 : f32
    %div3A_22 = vector.broadcast %div3A : f32 to vector<1000x1xf32>
    %div3A_23 = arith.divf %div3A_22, %max3A_21 : vector<1000x1xf32>
    %mul3A = vector.broadcast %div3A_23 : vector<1000x1xf32> to vector<1000x128xf32>
    %mul3A_24 = arith.mulf %add3A, %mul3A : vector<1000x128xf32>
    %get3A_25 = arith.constant 0 : index
    %get3A_26 = arith.constant 0 : index
    %get3A_27 = vector.load %arg1[%get3A_25, %get3A_26] : memref<1000x128xf32, #tpu.memory_space<vmem>>, vector<1000x128xf32>
    %get3A_28 = arith.constant 0 : index
    %get3A_29 = arith.constant 0 : index
    %get3A_30 = vector.load %arg4[%get3A_28, %get3A_29] : memref<128x256xf32, #tpu.memory_space<vmem>>, vector<128x256xf32>
    %dot_general3A = arith.constant dense<0.000000e+00> : vector<1000x256xf32>
    %dot_general3A_31 = tpu.matmul %get3A_27, %get3A_30, %dot_general3A {dimension_numbers = #tpu.dot_dimension_numbers<[1], [0], [0], [1], [0, 0, 1, 1], [], []>, transpose_lhs_hint = false} : vector<1000x128xf32>, vector<128x256xf32>, vector<1000x256xf32> -> vector<1000x256xf32>
    %get3A_32 = arith.constant 0 : index
    %get3A_33 = arith.constant 0 : index
    %get3A_34 = vector.load %arg5[%get3A_32, %get3A_33] : memref<128x256xf32, #tpu.memory_space<vmem>>, vector<128x256xf32>
    %dot_general3A_35 = arith.constant dense<0.000000e+00> : vector<1000x256xf32>
    %dot_general3A_36 = tpu.matmul %mul3A_24, %get3A_34, %dot_general3A_35 {dimension_numbers = #tpu.dot_dimension_numbers<[1], [0], [0], [1], [0, 0, 1, 1], [], []>, transpose_lhs_hint = false} : vector<1000x128xf32>, vector<128x256xf32>, vector<1000x256xf32> -> vector<1000x256xf32>
    %add3A_37 = arith.addf %dot_general3A_31, %dot_general3A_36 : vector<1000x256xf32>
    %get3A_38 = arith.constant 0 : index
    %get3A_39 = arith.constant 0 : index
    %get3A_40 = vector.load %arg6[%get3A_38, %get3A_39] : memref<1x256xf32, #tpu.memory_space<vmem>>, vector<1x256xf32>
    %add3A_41 = vector.broadcast %get3A_40 : vector<1x256xf32> to vector<1000x256xf32>
    %add3A_42 = arith.addf %add3A_37, %add3A_41 : vector<1000x256xf32>
    %max3A_43 = arith.constant 0.000000e+00 : f32
    %max3A_44 = vector.broadcast %max3A_43 : f32 to vector<1000x256xf32>
    %max3A_45 = arith.maximumf %add3A_42, %max3A_44 : vector<1000x256xf32>
    %swap3A = arith.constant 0 : index
    %swap3A_46 = arith.constant 0 : index
    %swap3A_47 = vector.load %arg8[%swap3A, %swap3A_46] : memref<1000x256xf32, #tpu.memory_space<vmem>>, vector<1000x256xf32>
    tpu.vector_store %arg8[%swap3A, %swap3A_46], %max3A_45 {strides = array<i32>} : memref<1000x256xf32, #tpu.memory_space<vmem>>, vector<1000x256xf32>,
    %get3A_48 = arith.constant 0 : index
    %get3A_49 = arith.constant 0 : index
    %get3A_50 = vector.load %arg7[%get3A_48, %get3A_49] : memref<256x128xf32, #tpu.memory_space<vmem>>, vector<256x128xf32>
    %dot_general3A_51 = arith.constant dense<0.000000e+00> : vector<1000x128xf32>
    %dot_general3A_52 = tpu.matmul %max3A_45, %get3A_50, %dot_general3A_51 {dimension_numbers = #tpu.dot_dimension_numbers<[1], [0], [0], [1], [0, 0, 1, 1], [], []>, transpose_lhs_hint = false} : vector<1000x256xf32>, vector<256x128xf32>, vector<1000x128xf32> -> vector<1000x128xf32>
    %swap3A_53 = arith.constant 0 : index
    %swap3A_54 = arith.constant 0 : index
    %swap3A_55 = vector.load %arg9[%swap3A_53, %swap3A_54] : memref<1000x128xf32, #tpu.memory_space<vmem>>, vector<1000x128xf32>
    tpu.vector_store %arg9[%swap3A_53, %swap3A_54], %dot_general3A_52 {strides = array<i32>} : memref<1000x128xf32, #tpu.memory_space<vmem>>, vector<1000x128xf32>,
    %swap3A_56 = arith.constant 0 : index
    %swap3A_57 = arith.constant 0 : index
    %swap3A_58 = vector.load %arg10[%swap3A_56, %swap3A_57] : memref<1000x1xf32, #tpu.memory_space<vmem>>, vector<1000x1xf32>
    tpu.vector_store %arg10[%swap3A_56, %swap3A_57], %div3A_23 {strides = array<i32>} : memref<1000x1xf32, #tpu.memory_space<vmem>>, vector<1000x1xf32>,
    return
  }
  func.func @transform_0(%arg0: i32) -> (i32, i32) {
    %c0_i32 = arith.constant 0 : i32
    %c0_i32_0 = arith.constant 0 : i32
    return %arg0, %c0_i32 : i32, i32
  }
  func.func @transform_1(%arg0: i32) -> (i32, i32, i32) {
    %c0_i32 = arith.constant 0 : i32
    %c0_i32_0 = arith.constant 0 : i32
    %c0_i32_1 = arith.constant 0 : i32
    return %c0_i32, %arg0, %c0_i32_0 : i32, i32, i32
  }
  func.func @transform_2(%arg0: i32) -> (i32, i32, i32) {
    %c0_i32 = arith.constant 0 : i32
    %c0_i32_0 = arith.constant 0 : i32
    %c0_i32_1 = arith.constant 0 : i32
    return %c0_i32, %arg0, %c0_i32_0 : i32, i32, i32
  }
  func.func @transform_3(%arg0: i32) -> (i32, i32) {
    %c0_i32 = arith.constant 0 : i32
    %c0_i32_0 = arith.constant 0 : i32
    %c0_i32_1 = arith.constant 0 : i32
    return %c0_i32, %c0_i32_0 : i32, i32
  }
  func.func @transform_4(%arg0: i32) -> (i32, i32) {
    %c0_i32 = arith.constant 0 : i32
    %c0_i32_0 = arith.constant 0 : i32
    %c0_i32_1 = arith.constant 0 : i32
    return %c0_i32, %c0_i32_0 : i32, i32
  }
  func.func @transform_5(%arg0: i32) -> (i32, i32) {
    %c0_i32 = arith.constant 0 : i32
    %c0_i32_0 = arith.constant 0 : i32
    %c0_i32_1 = arith.constant 0 : i32
    return %c0_i32, %c0_i32_0 : i32, i32
  }
  func.func @transform_6(%arg0: i32) -> (i32, i32) {
    %c0_i32 = arith.constant 0 : i32
    %c0_i32_0 = arith.constant 0 : i32
    %c0_i32_1 = arith.constant 0 : i32
    return %c0_i32, %c0_i32_0 : i32, i32
  }
  func.func @transform_7(%arg0: i32) -> (i32, i32) {
    %c0_i32 = arith.constant 0 : i32
    %c0_i32_0 = arith.constant 0 : i32
    return %arg0, %c0_i32 : i32, i32
  }
  func.func @transform_8(%arg0: i32) -> (i32, i32) {
    %c0_i32 = arith.constant 0 : i32
    %c0_i32_0 = arith.constant 0 : i32
    return %arg0, %c0_i32 : i32, i32
  }
  func.func @transform_9(%arg0: i32) -> (i32, i32) {
    %c0_i32 = arith.constant 0 : i32
    %c0_i32_0 = arith.constant 0 : i32
    return %arg0, %c0_i32 : i32, i32
  }
}

module attributes {stable_mosaic.version = 14 : i64} {
  func.func @body(%arg0: i32, %arg1: memref<1000x256xf32, #tpu.memory_space<vmem>>, %arg2: memref<2x1000x128xf32, #tpu.memory_space<vmem>>, %arg3: memref<1000x1xf32, #tpu.memory_space<vmem>>, %arg4: memref<256x128xf32, #tpu.memory_space<vmem>>, %arg5: memref<1x128xf32, #tpu.memory_space<vmem>>, %arg6: memref<1000x128xf32, #tpu.memory_space<vmem>>) attributes {dimension_semantics = [#tpu.dimension_semantics<arbitrary>], iteration_bounds = array<i64: 10>, scalar_prefetch = 0 : i64, scratch_operands = 0 : i64, tpu.core_type = #tpu.core_type<tc>, window_params = [{transform_indices = @transform_0, window_bounds = array<i64: 1000, 256>}, {transform_indices = @transform_1, window_bounds = array<i64: 2, 1000, 128>}, {transform_indices = @transform_2, window_bounds = array<i64: 1000, 1>}, {pipeline_mode = #tpu.pipeline_mode<synchronous>, transform_indices = @transform_3, window_bounds = array<i64: 256, 128>}, {pipeline_mode = #tpu.pipeline_mode<synchronous>, transform_indices = @transform_4, window_bounds = array<i64: 1, 128>}, {transform_indices = @transform_5, window_bounds = array<i64: 1000, 128>}]} {
    %get3A = arith.constant 0 : index
    %get3A_0 = arith.constant 0 : index
    %get3A_1 = arith.constant 0 : index
    %get3A_2 = vector.load %arg2[%get3A, %get3A_0, %get3A_1] : memref<2x1000x128xf32, #tpu.memory_space<vmem>>, vector<1x1000x128xf32>
    %get3A_3 = vector.shape_cast %get3A_2 : vector<1x1000x128xf32> to vector<1000x128xf32>
    %get3A_4 = arith.constant 1 : index
    %get3A_5 = arith.constant 0 : index
    %get3A_6 = arith.constant 0 : index
    %get3A_7 = vector.load %arg2[%get3A_4, %get3A_5, %get3A_6] : memref<2x1000x128xf32, #tpu.memory_space<vmem>>, vector<1x1000x128xf32>
    %get3A_8 = vector.shape_cast %get3A_7 : vector<1x1000x128xf32> to vector<1000x128xf32>
    %add3A = arith.addf %get3A_3, %get3A_8 : vector<1000x128xf32>
    %get3A_9 = arith.constant 0 : index
    %get3A_10 = arith.constant 0 : index
    %get3A_11 = vector.load %arg3[%get3A_9, %get3A_10] : memref<1000x1xf32, #tpu.memory_space<vmem>>, vector<1000x1xf32>
    %mul3A = vector.broadcast %get3A_11 : vector<1000x1xf32> to vector<1000x128xf32>
    %mul3A_12 = arith.mulf %add3A, %mul3A : vector<1000x128xf32>
    %get3A_13 = arith.constant 0 : index
    %get3A_14 = arith.constant 0 : index
    %get3A_15 = vector.load %arg1[%get3A_13, %get3A_14] : memref<1000x256xf32, #tpu.memory_space<vmem>>, vector<1000x256xf32>
    %get3A_16 = arith.constant 0 : index
    %get3A_17 = arith.constant 0 : index
    %get3A_18 = vector.load %arg4[%get3A_16, %get3A_17] : memref<256x128xf32, #tpu.memory_space<vmem>>, vector<256x128xf32>
    %dot_general3A = arith.constant dense<0.000000e+00> : vector<1000x128xf32>
    %dot_general3A_19 = tpu.matmul %get3A_15, %get3A_18, %dot_general3A {dimension_numbers = #tpu.dot_dimension_numbers<[1], [0], [0], [1], [0, 0, 1, 1], [], []>, transpose_lhs_hint = false} : vector<1000x256xf32>, vector<256x128xf32>, vector<1000x128xf32> -> vector<1000x128xf32>
    %add3A_20 = arith.addf %dot_general3A_19, %mul3A_12 : vector<1000x128xf32>
    %get3A_21 = arith.constant 0 : index
    %get3A_22 = arith.constant 0 : index
    %get3A_23 = vector.load %arg5[%get3A_21, %get3A_22] : memref<1x128xf32, #tpu.memory_space<vmem>>, vector<1x128xf32>
    %add3A_24 = vector.broadcast %get3A_23 : vector<1x128xf32> to vector<1000x128xf32>
    %add3A_25 = arith.addf %add3A_20, %add3A_24 : vector<1000x128xf32>
    %swap3A = arith.constant 0 : index
    %swap3A_26 = arith.constant 0 : index
    %swap3A_27 = vector.load %arg6[%swap3A, %swap3A_26] : memref<1000x128xf32, #tpu.memory_space<vmem>>, vector<1000x128xf32>
    tpu.vector_store %arg6[%swap3A, %swap3A_26], %add3A_25 {strides = array<i32>} : memref<1000x128xf32, #tpu.memory_space<vmem>>, vector<1000x128xf32>,
    return
  }
  func.func @transform_0(%arg0: i32) -> (i32, i32) {
    %c0_i32 = arith.constant 0 : i32
    %c0_i32_0 = arith.constant 0 : i32
    return %arg0, %c0_i32 : i32, i32
  }
  func.func @transform_1(%arg0: i32) -> (i32, i32, i32) {
    %c0_i32 = arith.constant 0 : i32
    %c0_i32_0 = arith.constant 0 : i32
    %c0_i32_1 = arith.constant 0 : i32
    return %c0_i32, %arg0, %c0_i32_0 : i32, i32, i32
  }
  func.func @transform_2(%arg0: i32) -> (i32, i32) {
    %c0_i32 = arith.constant 0 : i32
    %c0_i32_0 = arith.constant 0 : i32
    return %arg0, %c0_i32 : i32, i32
  }
  func.func @transform_3(%arg0: i32) -> (i32, i32) {
    %c0_i32 = arith.constant 0 : i32
    %c0_i32_0 = arith.constant 0 : i32
    %c0_i32_1 = arith.constant 0 : i32
    return %c0_i32, %c0_i32_0 : i32, i32
  }
  func.func @transform_4(%arg0: i32) -> (i32, i32) {
    %c0_i32 = arith.constant 0 : i32
    %c0_i32_0 = arith.constant 0 : i32
    %c0_i32_1 = arith.constant 0 : i32
    return %c0_i32, %c0_i32_0 : i32, i32
  }
  func.func @transform_5(%arg0: i32) -> (i32, i32) {
    %c0_i32 = arith.constant 0 : i32
    %c0_i32_0 = arith.constant 0 : i32
    return %arg0, %c0_i32 : i32, i32
  }
}

</mosaic_0001>

<sc_bundles>
// kernel: kernel.6.cloned.1.call-start
scs
__scs_entry_jumppad:
0x0: {  	(pc) =	sbr.rel $0x88, $3  }
0x1: {  	(tag) =	ssettag $0x0;
	lr =	simm.s32 $0x1  }
0x2: {  	[smem:$0x3F99] =	sst lr;
	_ =	strace $0xD0000000  }
0x3: {  	_ = 	snop  }
0x4: {  	_ = 	snop  }
0x5: {  	_ = 	snop  }
0x6: {  	_ = 	snop  }
0x7: {  	_ = 	snop  }
__scs_overlays_trampoline_lowered:
0x8: {  	[smem:$0x3FA8] =	sst s0  }
0x9: {  	[smem:$0x3FA9] =	sst s1  }
0xa: {  	[smem:$0x3FAA] =	sst s2  }
0xb: {  	[smem:$0x3FAB] =	sst s3  }
0xc: {  	[smem:$0x3FAC] =	sst s4  }
0xd: {  	[smem:$0x3FAD] =	sst s5  }
0xe: {  	[smem:$0x3FAE] =	sst s6  }
0xf: {  	[smem:$0x3FAF] =	sst s7  }
0x10: {  	[smem:$0x3FB0] =	sst s8  }
0x11: {  	[smem:$0x3FB1] =	sst s9;
	s0 =	simm.s32 @!p0 $0x0  }
0x12: {  	s1 =	sld [smem:$0x3F97];
	s0 =	simm.s32 @p0 $0x1  }
0x13: {  	[smem:$0x3FB2] =	sst s0;
	s0 =	simm.s32 @!p1 $0x0  }
0x14: {  	s2 =	sld [smem:$0x3F96];
	s0 =	simm.s32 @p1 $0x1  }
0x15: {  	[smem:$0x3FB3] =	sst s0;
	s0 =	simm.s32 @!p2 $0x0  }
0x16: {  	s3 =	sld [smem:$0x3FDB];
	s0 =	simm.s32 @p2 $0x1  }
0x17: {  	s4 =	simm.s32 $0x1BF5;
	[smem:$0x3FB5] =	sst s0  }
0x18: {  	s0 =	sld [smem:$0x3F98];
	_ =	swait.ge [sflag:s4], $0x0  }
0x19: {  	s7 =	sld [smem:$0x3F99]  }
0x1a: {  	s8 =	sadd.s32 $0xFFFFE003, lr  }
0x1b: {  	s9 =	sadd.s32 $0xFFFFFEF7, lr;
	s5 =	simm.s32 $0xFFFFFFFF;
	p2 =	slt.u32 s8, $0xFFFFF086  }
0x1c: {  	p1 =	slt.u32 s9, $0xF7A;
	s5 =	simm.s32 @!p2 $0x0  }
0x1d: {  	s5 =	simm.s32 @p1 $0x1;
	p0 =	seq.s32 s7, s2  }
0x1e: {  	s7 =	smul.u32 @!p0 $0xF7A, s2;
	p2 =	seq.s32 @!p0 s5, $0x0  }
0x1f: {  	s9 =	smul.u32 $0xF7A, s1;
	s8 =	simm.s32 @!p0 $0x1BF5;
	p2 =	por !p2, p0  }
0x20: {  	[sflag:s8] =	ssyncset.s32 @!p0 $0xFFFFF086;
	s6 =	sadd.s32 @!p0 s3, s7;
	s7 =	simm.s32 @!p0 $0x108  }
0x21: {  	s3 =	sadd.s32 s3, s9;
	s6 =	sadd.s32 @!p0 $0x88, s6;
	s7 =	simm.s32 @p2 $0x1082  }
0x22: {  	[simem:s7], [sflag:s8] =	dma.local @!p0 [hbm:s6], $0xF7A  }
0x23: {  	s9 =	sor.u32 $0xD0000000, s2;
	s6 =	simm.s32 $0x108;
	_ =	swait.ge @!p0 [sflag:s8], $0x0  }
0x24: {  	s3 =	sadd.s32 $0x88, s3;
	s6 =	simm.s32 @!p1 $0x1082;
	[sflag:s4] =	ssyncset.s32 $0xFFFFF086  }
0x25: {  	[simem:s6], [sflag:s4] =	dma.local [hbm:s3], $0xF7A  }
0x26: {  	[smem:$0x3F99] =	sst s1;
	(tag) =	ssettag s2;
	_ =	strace s9  }
0x27: {  	s1 =	sld [smem:$0x3FA9]  }
0x28: {  	s2 =	sld [smem:$0x3FAA]  }
0x29: {  	s4 =	sld [smem:$0x3FAC]  }
0x2a: {  	p0 =	seq.s32 s5, $0x0;
	s5 =	sld [smem:$0x3FAD]  }
0x2b: {  	s6 =	sld [smem:$0x3FAE]  }
0x2c: {  	s7 =	sld [smem:$0x3FAF]  }
0x2d: {  	s3 =	simm.s32 $0x108;
	s8 =	sld [smem:$0x3FB0]  }
0x2e: {  	s3 =	simm.s32 @!p0 $0x1082;
	s9 =	sld [smem:$0x3FB1]  }
0x2f: {  	lr =	sadd.s32 s0, s3;
	s0 =	sld [smem:$0x3FA8]  }
0x30: {  	s3 =	sld [smem:$0x3FAB]  }
0x31: {  	[smem:$0x3FB4] =	sst s10  }
0x32: {  	s10 =	sld [smem:$0x3FB2];
	_ =	sdelay $0x3  }
0x33: {  	p0 =	seq.s32 s10, $0x1;
	s10 =	sld [smem:$0x3FB4];
	_ =	sdelay $0x3  }
0x34: {  	[smem:$0x3FB4] =	sst s10  }
0x35: {  	s10 =	sld [smem:$0x3FB3];
	_ =	sdelay $0x3  }
0x36: {  	p1 =	seq.s32 s10, $0x1;
	s10 =	sld [smem:$0x3FB4];
	_ =	sdelay $0x3  }
0x37: {  	[smem:$0x3FB4] =	sst s10  }
0x38: {  	s10 =	sld [smem:$0x3FB5]  }
0x39: {  	_ = 	snop;
	(pc) =	sbr.ind lr, $3  }
0x3a: {  	_ = 	snop  }
0x3b: {  	_ = 	snop  }
0x3c: {  	p2 =	seq.s32 s10, $0x1;
	s10 =	sld [smem:$0x3FB4]  }
0x3d: {  	_ =	shalt  }
0x3e: {  	_ =	shalt  }
0x3f: {  	_ =	shalt  }
0x40: {  	_ =	shalt  }
0x41: {  	_ =	shalt  }
0x42: {  	_ =	shalt  }
0x43: {  	_ =	shalt  }
0x44: {  	_ =	shalt  }
0x45: {  	_ =	shalt  }
0x46: {  	_ =	shalt  }
0x47: {  	_ =	shalt  }
0x48: {  	_ =	shalt  }
0x49: {  	_ =	shalt  }
0x4a: {  	_ =	shalt  }
0x4b: {  	_ =	shalt  }
0x4c: {  	_ =	shalt  }
0x4d: {  	_ =	shalt  }
0x4e: {  	_ =	shalt  }
0x4f: {  	_ =	shalt  }
0x50: {  	_ =	shalt  }
0x51: {  	_ =	shalt  }
0x52: {  	_ =	shalt  }
0x53: {  	_ =	shalt  }
0x54: {  	_ =	shalt  }
0x55: {  	_ =	shalt  }
0x56: {  	_ =	shalt  }
0x57: {  	_ =	shalt  }
0x58: {  	_ =	shalt  }
0x59: {  	_ =	shalt  }
0x5a: {  	_ =	shalt  }
0x5b: {  	_ =	shalt  }
0x5c: {  	_ =	shalt  }
0x5d: {  	_ =	shalt  }
0x5e: {  	_ =	shalt  }
0x5f: {  	_ =	shalt  }
0x60: {  	_ =	shalt  }
0x61: {  	_ =	shalt  }
0x62: {  	_ =	shalt  }
0x63: {  	_ =	shalt  }
0x64: {  	_ =	shalt  }
0x65: {  	_ =	shalt  }
0x66: {  	_ =	shalt  }
0x67: {  	_ =	shalt  }
0x68: {  	_ =	shalt  }
0x69: {  	_ =	shalt  }
0x6a: {  	_ =	shalt  }
0x6b: {  	_ =	shalt  }
0x6c: {  	_ =	shalt  }
0x6d: {  	_ =	shalt  }
0x6e: {  	_ =	shalt  }
0x6f: {  	_ =	shalt  }
0x70: {  	_ =	shalt  }
0x71: {  	_ =	shalt  }
0x72: {  	_ =	shalt  }
0x73: {  	_ =	shalt  }
0x74: {  	_ =	shalt  }
0x75: {  	_ =	shalt  }
0x76: {  	_ =	shalt  }
0x77: {  	_ =	shalt  }
0x78: {  	_ =	shalt  }
0x79: {  	_ =	shalt  }
0x7a: {  	_ =	shalt  }
0x7b: {  	_ =	shalt  }
0x7c: {  	_ =	shalt  }
0x7d: {  	_ =	shalt  }
0x7e: {  	_ =	shalt  }
0x7f: {  	_ =	shalt  }
0x80: {  	_ =	shalt  }
0x81: {  	_ =	shalt  }
0x82: {  	_ =	shalt  }
0x83: {  	_ =	shalt  }
0x84: {  	_ =	shalt  }
0x85: {  	_ =	shalt  }
0x86: {  	_ =	shalt  }
0x87: {  	_ =	shalt  }
.Lfunc_end0:
.L_simem_size_0:
called_computation_lowered:
.L_overlay_start_0:
0x88: {  	s2 =	sld [smem:$0x3FD9]  }
0x89: {  	s3 =	sld [smem:$0x3FFE];
	_ =	sdelay $0x1  }
0x8a: {  	s1 =	srdreg.scid  }
0x8b: {  	s0 =	sand.u32 $0x1, s1  }
0x8c: {  	s17 =	sshll.u32 s0, $0xA;
	s2 =	sadd.s32 s3, s2  }
0x8d: {  	s2 =	sadd.s32 s2, s17  }
0x8e: {  	[smem:$0x3FC0] =	sst s2  }
0x8f: {  	_ = 	snop  }
0x90: {  	s2 =	sld [smem:$0x3FC9]  }
0x91: {  	s18 =	sld [smem:$0x3FD0];
	(tm) =	ssettm $0x1  }
0x92: {  	s4 =	sld [smem:$0x3FFB];
	_ =	sdelay $0x3  }
0x93: {  	_ =	strace s4  }
0x94: {  	s4 =	sld [smem:$0x3FFC];
	_ =	sdelay $0x3  }
0x95: {  	_ =	strace s4  }
0x96: {  	s4 =	sld [smem:$0x3FFD];
	_ =	sdelay $0x3  }
0x97: {  	_ =	strace s4  }
0x98: {  	_ =	strace $0x8FFFFFFF  }
0x99: {  	s19 =	sld [smem:$0x3FDB];
	_ =	sdelay $0x1  }
0x9a: {  	s5 =	simm.s32 $_scs_section_size  }
0x9b: {  	s6 =	simm.s32 $_size__tile_overlayer_lowered;
	s7 =	simm.s32 $_tile_overlayer_lowered  }
0x9c: {  	s22 =	simm.s32 $0x1BFF;
	s21 =	sshll.u32 s7, $0x1;
	s4 =	sadd.s32 s5, s19  }
0x9d: {  	s8 =	simm.s32 $0x0;
	s20 =	sshll.u32 s6, $0x1;
	s6 =	sadd.s32 s21, s4  }
0x9e: {  	[timem:s8], [sflag:s22] =	dma.local [hbm:s6], s20  }
0x9f: {  	_ =	swait.ge [sflag:s22], s20  }
0xa0: {  	s5 =	ssub.s32 $0x0, s20;
	[sflag:s22] =	ssyncset.done $0x0  }
0xa1: {  	[sflag:s22] =	ssyncadd.s32 s5;
	_ =	sdelay $0x1  }
0xa2: {  	s23 =	simm.s32 $0x1B8B  }
0xa3: {  	_ =	swait.ge [sflag:s23], $0x1  }
0xa4: {  	[sflag:s23] =	ssyncset.done $0x0  }
0xa5: {  	s25 =	simm.s32 $0x1B8E;
	s24 =	sld [smem:$0x3FFE];
	[sflag:s23] =	ssyncadd.s32 $0xFFFFFFFF  }
0xa6: {  	s26 =	simm.s32 $execute0_lowered;
	[smem:$0x3FD2] =	sst s25  }
0xa7: {  	s6 =	sshll.u32 s26, $0x1;
	_ =	strace $0x80000046;
	[dreg:$0x1] =	wrdreg $0xFFFFFFFF  }
0xa8: {  	s28 =	simm.s32 $_size_execute0_lowered;
	s4 =	sadd.s32 s4, s6;
	[dreg:$0x0] =	wrdreg $0x0  }
0xa9: {  	s6 =	sshll.u32 s28, $0x1;
	[dreg:$0x2] =	wrdreg s4  }
0xaa: {  	[dreg:$0x3] =	wrdreg s6  }
0xab: {  	[dreg:$0x4] =	wrdreg $0xC0  }
0xac: {  	_ =	task [dreg:s8], $0x5FFFF  }
0xad: {  	[dreg:$0x1] =	wrdreg $0xFFFFFFFF  }
0xae: {  	[dreg:$0x0] =	wrdreg $0x60  }
0xaf: {  	[dreg:$0x2] =	wrdreg s2  }
0xb0: {  	[dreg:$0x3] =	wrdreg s24  }
0xb1: {  	[dreg:$0x4] =	wrdreg s18  }
0xb2: {  	[dreg:$0x5] =	wrdreg $0x77B00  }
0xb3: {  	[dreg:$0x6] =	wrdreg $0x1B5300  }
0xb4: {  	[dreg:$0x7] =	wrdreg $0x9  }
0xb5: {  	_ =	task.clear_ibuf [dreg:s8], $0x8FFFF;
	_ =	strace $0x90000046  }
0xb6: {  	s29 =	simm.s32 $0x9;
	_ =	strace $0x80000048  }
0xb7: {  	_ =	swait.ge [sflag:s29], $0x1  }
0xb8: {  	[sflag:s29] =	ssyncadd.s32 $0xFFFFFFFF  }
0xb9: {  	_ =	strace $0x90000048  }
0xba: {  	_ =	sfence  }
0xbb: {  	s30 =	sld [smem:$0x0];
	_ =	sdelay $0x2  }
0xbc: {  	s31 =	sshll.u32 s1, $0xD;
	s1 =	sshrl.u32 s1, $0x2  }
0xbd: {  	s3 =	sand.u32 $0x4000, s31;
	s1 =	sadd.s32 s1, s30  }
0xbe: {  	s0 =	sor.u32 s3, s0;
	s1 =	sshll.u32 s1, $0x11  }
0xbf: {  	s0 =	sor.u32 s1, s0  }
0xc0: {  	s0 =	sadd.s32 $0x8F2B, s0  }
0xc1: {  	[sflag:s0] =	ssyncadd.remote.s32 $0x1  }
0xc2: {  	_ =	sfence.sel $0xFFFF  }
0xc3: {  	[dreg:$0x0] =	wrdreg $0xFFFFFFFF;
	(pc) =	sbr.abs _section_cstart, $3  }
0xc4: {  	[dreg:$0x1] =	wrdreg $0xFFFFFFFF  }
0xc5: {  	_ =	task.clear_ibuf [dreg:s8], $0x2FFFF;
	_ =	strace $0x9FFFFFFF  }
0xc6: {  	(tm) =	ssettm $0x7FFFFFFF  }
0xc7: {  	_ =	shalt  }
tec
execute0_lowered:
.L_overlay_start_1:
0x0: {  	(tag) =	ssettag $0x1  }
0x1: {  	s0 =	rddreg [dreg:$0x0]  }
0x2: {  	s1 =	rddreg [dreg:$0x1]  }
0x3: {  	s2 =	srdreg.scid;
	s7 =	rddreg [dreg:$0x2]  }
0x4: {  	s3 =	rddreg [dreg:$0x3];
	s17 =	stileid.u32  }
0x5: {  	s4 =	rddreg [dreg:$0x4];
	s28 =	simm.s32 $0x1;
	s29 =	simm.s32 $0x3  }
0x6: {  	s30 =	simm.s32 $0x2;
	s31 =	simm.s32 $0x4;
	s11 =	smul.u32 $0x2710, s17  }
0x7: {  	s2 =	sand.u32 $0x1, s2;
	s10 =	smul.u32 $0x13880, s17;
	s6 =	sadd.s32 $0xC600, s1  }
0x8: {  	s16 =	sadd.s32 $0x16400, s1;
	s5 =	sshll.u32 s2, $0x4;
	s12 =	smul.u32 $0x138800, s2  }
0x9: {  	s15 =	smul.u32 $0x27100, s2;
	s2 =	ssub.s32 $0x2, s2;
	s8 =	sor.u32 s17, s5  }
0xa: {  	s5 =	simm.s32 $0x0;
	s14 =	sshrl.u32 s11, $0x3;
	s26 =	sshrl.u32 s2, $0x1  }
0xb: {  	s17 =	sshll.u32 s17, $0x6;
	s19 =	sadd.s32 s11, s4;
	s9 =	smul.u32 $0x4E2, s8  }
0xc: {  	[smem:$0x7FF] =	sst s5;
	s14 =	sadd.s32 s14, s1;
	s12 =	sadd.s32 s10, s12  }
0xd: {  	s21 =	sadd.s32 s11, s15;
	s2 =	ssub.s32 s2, s26;
	s8 =	smul.u32 $0x2710, s8  }
0xe: {  	_ =	strace $0x80000047;
	[dreg:$0x6] =	wrdreg s16;
	s12 =	sshrl.u32 s12, $0x3  }
0xf: {  	s15 =	sshrl.u32 s21, $0x3;
	s16 =	sadd.s32 s10, s3;
	s10 =	sshrl.u32 s10, $0x3  }
0x10: {  	[dreg:$0x9] =	wrdreg s19;
	s20 =	sadd.s32 $0x16600, s14;
	s26 =	sadd.s32 $0xF0, s21  }
0x11: {  	s21 =	sadd.s32 $0xA0, s21;
	s13 =	sadd.s32 s9, s1;
	s12 =	sadd.s32 s12, s1  }
0x12: {  	s1 =	sadd.s32 s15, s1;
	[dreg:$0x7] =	wrdreg s16;
	s7 =	sadd.s32 s7, s10  }
0x13: {  	s10 =	sor.u32 $0x1C05, s17;
	s18 =	sshrl.u32 s8, $0x3;
	[dreg:$0xa] =	wrdreg s20  }
0x14: {  	s23 =	sadd.s32 s6, s9;
	s8 =	simm.s32 $0x0;
	[dreg:$0x8] =	wrdreg s7  }
0x15: {  	s7 =	sadd.s32 s6, s18;
	s22 =	sadd.s32 $0x2800, s13;
	[dreg:$0xc] =	wrdreg s23  }
0x16: {  	s25 =	sadd.s32 $0x25400, s12;
	s17 =	sadd.s32 $0x1B600, s1;
	s18 =	smax.u32 s2, $0x1  }
0x17: {  	s1 =	sshrl.u32 s26, $0x3;
	s23 =	simm.s32 $0x1B030;
	s26 =	simm.s32 $0x4FB0  }
0x18: {  	s2 =	simm.s32 $0x26C0;
	[dreg:$0xb] =	wrdreg s22;
	s24 =	sadd.s32 $0xA, s7  }
0x19: {  	[dreg:$0xe] =	wrdreg s25;
	s19 =	sadd.s32 $0x4D8, s7;
	s20 =	sadd.s32 s1, s6  }
0x1a: {  	s22 =	simm.s32 $0x5;
	s25 =	simm.s32 $0x27B0;
	s1 =	simm.s32 $0x2710  }
0x1b: {  	s7 =	simm.s32 $0x2760;
	[dreg:$0xd] =	wrdreg s24;
	s24 =	simm.s32 $0x50  }
.LBB2_1:
0x1c: {  	s9 =	rddreg [dreg:$0x7]  }
0x1d: {  	s11 =	rddreg [dreg:$0x8];
	s9 =	sshrl.u32 s9, $0x3  }
0x1e: {  	[spmem:s9], [sflag:s10] =	dma.local [hbm:s11], $0x2710  }
0x1f: {  	_ =	swait.ge [sflag:s22], $0x2710  }
0x20: {  	[sflag:s22] =	ssyncset.done $0x0;
	s13 =	rddreg [dreg:$0x9]  }
0x21: {  	s12 =	rddreg [dreg:$0xa];
	[sflag:s22] =	ssyncadd.s32 $0xFFFFD8F0;
	s11 =	sshrl.u32 s13, $0x3  }
0x22: {  	[spmem:s11], [sflag:s10] =	dma.local [hbm:s12], $0x4E2  }
0x23: {  	_ =	swait.ge [sflag:s22], $0x4E2  }
0x24: {  	[sflag:s22] =	ssyncset.done $0x0  }
0x25: {  	s14 =	rddreg [dreg:$0x6];
	[sflag:s22] =	ssyncadd.s32 $0xFFFFFB1E  }
0x26: {  	[tilespmem:s23], [sflag:$0x5] =	stream.linear.gather [hbm4b:s14+s5], $0x500, $0x38;
	[tilespmem:$0x1DC40] =	vst v63  }
0x27: {  	_ =	swait.ge [sflag:s22], $0x500  }
0x28: {  	[sflag:s22] =	ssyncset.done $0x0  }
0x29: {  	s12 =	simm.s32 $0xA0;
	s13 =	rddreg [dreg:$0xb];
	[sflag:s22] =	ssyncadd.s32 $0xFFFFFB00  }
0x2a: {  	[tilespmem:s12], [sflag:$0x5] =	stream.linear.gather [hbm4b:s13+s5], $0x2710, $0x38;
	[tilespmem:$0x1DC40] =	vst v63  }
0x2b: {  	_ =	swait.ge [sflag:s22], $0x2710  }
0x2c: {  	[sflag:s22] =	ssyncset.done $0x0  }
0x2d: {  	s15 =	rddreg [dreg:$0xc];
	[sflag:s22] =	ssyncadd.s32 $0xFFFFD8F0  }
0x2e: {  	[tilespmem:s5], [sflag:$0x5] =	stream.linear.gather [hbm4b:s15+s5], $0x50, $0x38;
	[tilespmem:$0x1DC40] =	vst v63  }
0x2f: {  	_ =	swait.ge [sflag:s22], $0x50  }
0x30: {  	[sflag:s22] =	ssyncset.done $0x0  }
0x31: {  	s16 =	rddreg [dreg:$0xd];
	[sflag:s22] =	ssyncadd.s32 $0xFFFFFFB0  }
0x32: {  	[tilespmem:s24], [sflag:$0x5] =	stream.linear.gather [hbm4b:s16+s5], $0x50, $0x38;
	[tilespmem:$0x1DC40] =	vst v63  }
0x33: {  	_ =	swait.ge [sflag:s22], $0x50  }
0x34: {  	[sflag:s22] =	ssyncset.done $0x0  }
0x35: {  	[sflag:s22] =	ssyncadd.s32 $0xFFFFFFB0  }
0x36: {  	[bflag:$0x0] =	sbarrier.arrive $0xFFFF  }
0x37: {  	[tilespmem:s25], [sflag:$0x1] =	stream.indirect.gather [hbm4b:s0+s24], $0x80, s5, s24, $0xb8;
	[tilespmem:$0x1DC40] =	vst v63  }
0x38: {  	_ = 	snop  }
0x39: {  	[tilespmem:s26], [sflag:$0x2] =	stream.indirect.gather [hbm4b:s0+s24], $0x80, s24, s24, $0xb8;
	[tilespmem:$0x1DC40] =	vst v63  }
0x3a: {  	_ =	swait.ge [sflag:s28], $0x2800  }
0x3b: {  	s14 =	sshrl.u32 s21, $0x3;
	[sflag:s28] =	ssyncset.done $0x0  }
0x3c: {  	s13 =	sadd.s32 s6, s14;
	[sflag:s28] =	ssyncadd.s32 $0xFFFFD800  }
0x3d: {  	[tilespmem:s5], [sflag:$0x3] =	stream.linear.gather [hbm4b:s13+s5], $0x50, $0x38;
	[tilespmem:$0x1DC40] =	vst v63  }
0x3e: {  	_ = 	snop  }
0x3f: {  	[spmem:s3] =	stream.indirect.scatter.add.f32 [tilespmem:s25], [sflag:$0x5], $0x80, s12, s24, $0xb8;
	[tilespmem:$0x1DC40] =	vst v63  }
0x40: {  	_ =	swait.ge [sflag:s22], $0x2800  }
0x41: {  	[sflag:s22] =	ssyncset.done $0x0  }
0x42: {  	[sflag:s22] =	ssyncadd.s32 $0xFFFFD800  }
0x43: {  	[spmem:s4] =	stream.indirect.scatter.add.f32 [tilespmem:s23], [sflag:$0x5], $0x10, s12, s24, $0xb8;
	[tilespmem:$0x1DC40] =	vst v63  }
0x44: {  	_ =	swait.ge [sflag:s22], $0x500  }
0x45: {  	[sflag:s22] =	ssyncset.done $0x0  }
0x46: {  	[sflag:s22] =	ssyncadd.s32 $0xFFFFFB00  }
0x47: {  	_ =	swait.ge [sflag:s29], $0x50  }
0x48: {  	[sflag:s29] =	ssyncset.done $0x0  }
0x49: {  	[sflag:s29] =	ssyncadd.s32 $0xFFFFFFB0  }
0x4a: {  	[tilespmem:s25], [sflag:$0x1] =	stream.indirect.gather [hbm4b:s0+s24], $0x80, s5, s24, $0xb8;
	[tilespmem:$0x1DC40] =	vst v63  }
0x4b: {  	_ =	swait.ge [sflag:s30], $0x2800  }
0x4c: {  	[sflag:s30] =	ssyncset.done $0x0  }
0x4d: {  	s15 =	sadd.s32 $0x0, s20;
	[sflag:s30] =	ssyncadd.s32 $0xFFFFD800  }
0x4e: {  	[tilespmem:s24], [sflag:$0x4] =	stream.linear.gather [hbm4b:s15+s5], $0x50, $0x38;
	[tilespmem:$0x1DC40] =	vst v63  }
0x4f: {  	s16 =	simm.s32 $0xF0  }
0x50: {  	[spmem:s3] =	stream.indirect.scatter.add.f32 [tilespmem:s26], [sflag:$0x5], $0x80, s16, s24, $0xb8;
	[tilespmem:$0x1DC40] =	vst v63  }
0x51: {  	_ =	swait.ge [sflag:s22], $0x2800  }
0x52: {  	[sflag:s22] =	ssyncset.done $0x0  }
0x53: {  	[sflag:s22] =	ssyncadd.s32 $0xFFFFD800  }
0x54: {  	[spmem:s4] =	stream.indirect.scatter.add.f32 [tilespmem:s23], [sflag:$0x5], $0x10, s16, s24, $0xb8;
	[tilespmem:$0x1DC40] =	vst v63  }
0x55: {  	_ =	swait.ge [sflag:s22], $0x500  }
0x56: {  	[sflag:s22] =	ssyncset.done $0x0  }
0x57: {  	[sflag:s22] =	ssyncadd.s32 $0xFFFFFB00  }
0x58: {  	_ =	swait.ge [sflag:s31], $0x50  }
0x59: {  	s14 =	sadd.s32 $0xA0, s21;
	[sflag:s31] =	ssyncset.done $0x0  }
0x5a: {  	s13 =	simm.s32 $0x140;
	s12 =	simm.s32 $0x14;
	[sflag:s31] =	ssyncadd.s32 $0xFFFFFFB0  }
.LBB2_2:
0x5b: {  	[tilespmem:s26], [sflag:$0x2] =	stream.indirect.gather [hbm4b:s0+s24], $0x80, s24, s24, $0xb8;
	[tilespmem:$0x1DC40] =	vst v63  }
0x5c: {  	s15 =	smov.u32 s12  }
0x5d: {  	p0 =	sne.s32 s12, $0x4B0;
	s12 =	sadd.s32 $0x14, s12;
	_ =	swait.ge [sflag:s28], $0x2800  }
0x5e: {  	s16 =	sshrl.u32 s14, $0x3;
	[sflag:s28] =	ssyncset.done $0x0  }
0x5f: {  	s16 =	sadd.s32 s6, s16;
	[sflag:s28] =	ssyncadd.s32 $0xFFFFD800  }
0x60: {  	[tilespmem:s5], [sflag:$0x3] =	stream.linear.gather [hbm4b:s16+s5], $0x50, $0x38;
	[tilespmem:$0x1DC40] =	vst v63  }
0x61: {  	_ = 	snop  }
0x62: {  	[spmem:s3] =	stream.indirect.scatter.add.f32 [tilespmem:s25], [sflag:$0x5], $0x80, s13, s24, $0xb8;
	[tilespmem:$0x1DC40] =	vst v63  }
0x63: {  	_ =	swait.ge [sflag:s22], $0x2800  }
0x64: {  	[sflag:s22] =	ssyncset.done $0x0  }
0x65: {  	[sflag:s22] =	ssyncadd.s32 $0xFFFFD800  }
0x66: {  	[spmem:s4] =	stream.indirect.scatter.add.f32 [tilespmem:s23], [sflag:$0x5], $0x10, s13, s24, $0xb8;
	[tilespmem:$0x1DC40] =	vst v63  }
0x67: {  	_ =	swait.ge [sflag:s22], $0x500  }
0x68: {  	[sflag:s22] =	ssyncset.done $0x0  }
0x69: {  	[sflag:s22] =	ssyncadd.s32 $0xFFFFFB00  }
0x6a: {  	_ =	swait.ge [sflag:s29], $0x50  }
0x6b: {  	[sflag:s29] =	ssyncset.done $0x0  }
0x6c: {  	[sflag:s29] =	ssyncadd.s32 $0xFFFFFFB0  }
0x6d: {  	[tilespmem:s25], [sflag:$0x1] =	stream.indirect.gather [hbm4b:s0+s24], $0x80, s5, s24, $0xb8;
	[tilespmem:$0x1DC40] =	vst v63  }
0x6e: {  	_ =	swait.ge [sflag:s30], $0x2800  }
0x6f: {  	[sflag:s30] =	ssyncset.done $0x0  }
0x70: {  	s15 =	sadd.s32 s15, s20;
	[sflag:s30] =	ssyncadd.s32 $0xFFFFD800  }
0x71: {  	[tilespmem:s24], [sflag:$0x4] =	stream.linear.gather [hbm4b:s15+s5], $0x50, $0x38;
	[tilespmem:$0x1DC40] =	vst v63  }
0x72: {  	s15 =	sadd.s32 $0x50, s13  }
0x73: {  	[spmem:s3] =	stream.indirect.scatter.add.f32 [tilespmem:s26], [sflag:$0x5], $0x80, s15, s24, $0xb8;
	[tilespmem:$0x1DC40] =	vst v63  }
0x74: {  	_ =	swait.ge [sflag:s22], $0x2800  }
0x75: {  	[sflag:s22] =	ssyncset.done $0x0  }
0x76: {  	[sflag:s22] =	ssyncadd.s32 $0xFFFFD800  }
0x77: {  	[spmem:s4] =	stream.indirect.scatter.add.f32 [tilespmem:s23], [sflag:$0x5], $0x10, s15, s24, $0xb8;
	[tilespmem:$0x1DC40] =	vst v63  }
0x78: {  	_ =	swait.ge [sflag:s22], $0x500  }
.Ltmp0:
0x79: {  	[sflag:s22] =	ssyncset.done $0x0;
	(pc) =	sbr.rel @p0 .LBB2_2-.Ltmp0, $4  }
0x7a: {  	[sflag:s22] =	ssyncadd.s32 $0xFFFFFB00  }
0x7b: {  	_ =	swait.ge [sflag:s31], $0x50  }
0x7c: {  	[sflag:s31] =	ssyncset.done $0x0  }
0x7d: {  	s14 =	sadd.s32 $0xA0, s14;
	s13 =	sadd.s32 $0xA0, s13;
	[sflag:s31] =	ssyncadd.s32 $0xFFFFFFB0  }
0x7e: {  	[tilespmem:s26], [sflag:$0x2] =	stream.indirect.gather [hbm4b:s0+s24], $0x80, s24, s24, $0xb8;
	[tilespmem:$0x1DC40] =	vst v63  }
0x7f: {  	_ =	swait.ge [sflag:s28], $0x2800  }
0x80: {  	[sflag:s28] =	ssyncset.done $0x0  }
0x81: {  	[sflag:s28] =	ssyncadd.s32 $0xFFFFD800  }
0x82: {  	[tilespmem:s5], [sflag:$0x3] =	stream.linear.gather [hbm4b:s19+s5], $0x50, $0x38;
	[tilespmem:$0x1DC40] =	vst v63  }
0x83: {  	_ = 	snop  }
0x84: {  	[spmem:s3] =	stream.indirect.scatter.add.f32 [tilespmem:s25], [sflag:$0x5], $0x80, s2, s24, $0xb8;
	[tilespmem:$0x1DC40] =	vst v63  }
0x85: {  	_ =	swait.ge [sflag:s22], $0x2800  }
0x86: {  	[sflag:s22] =	ssyncset.done $0x0  }
0x87: {  	[sflag:s22] =	ssyncadd.s32 $0xFFFFD800  }
0x88: {  	[spmem:s4] =	stream.indirect.scatter.add.f32 [tilespmem:s23], [sflag:$0x5], $0x10, s2, s24, $0xb8;
	[tilespmem:$0x1DC40] =	vst v63  }
0x89: {  	_ =	swait.ge [sflag:s22], $0x500  }
0x8a: {  	[sflag:s22] =	ssyncset.done $0x0  }
0x8b: {  	[sflag:s22] =	ssyncadd.s32 $0xFFFFFB00  }
0x8c: {  	_ =	swait.ge [sflag:s29], $0x50  }
0x8d: {  	[sflag:s29] =	ssyncset.done $0x0  }
0x8e: {  	[sflag:s29] =	ssyncadd.s32 $0xFFFFFFB0  }
0x8f: {  	[tilespmem:s25], [sflag:$0x1] =	stream.indirect.gather [hbm4b:s0+s24], $0x80, s5, s24, $0xb8;
	[tilespmem:$0x1DC40] =	vst v63  }
0x90: {  	_ =	swait.ge [sflag:s30], $0x2800  }
0x91: {  	[sflag:s30] =	ssyncset.done $0x0  }
0x92: {  	[sflag:s30] =	ssyncadd.s32 $0xFFFFD800  }
0x93: {  	[spmem:s3] =	stream.indirect.scatter.add.f32 [tilespmem:s26], [sflag:$0x5], $0x80, s1, s24, $0xb8;
	[tilespmem:$0x1DC40] =	vst v63  }
0x94: {  	_ =	swait.ge [sflag:s22], $0x2800  }
0x95: {  	[sflag:s22] =	ssyncset.done $0x0  }
0x96: {  	[sflag:s22] =	ssyncadd.s32 $0xFFFFD800  }
0x97: {  	[spmem:s4] =	stream.indirect.scatter.add.f32 [tilespmem:s23], [sflag:$0x5], $0x10, s1, s24, $0xb8;
	[tilespmem:$0x1DC40] =	vst v63  }
0x98: {  	_ =	swait.ge [sflag:s22], $0x500  }
0x99: {  	[sflag:s22] =	ssyncset.done $0x0  }
0x9a: {  	[sflag:s22] =	ssyncadd.s32 $0xFFFFFB00  }
0x9b: {  	_ =	swait.ge [sflag:s28], $0x2800  }
0x9c: {  	[sflag:s28] =	ssyncset.done $0x0  }
0x9d: {  	[sflag:s28] =	ssyncadd.s32 $0xFFFFD800  }
0x9e: {  	[spmem:s3] =	stream.indirect.scatter.add.f32 [tilespmem:s25], [sflag:$0x5], $0x80, s7, s24, $0xb8;
	[tilespmem:$0x1DC40] =	vst v63  }
0x9f: {  	_ =	swait.ge [sflag:s22], $0x2800  }
0xa0: {  	[sflag:s22] =	ssyncset.done $0x0  }
0xa1: {  	[sflag:s22] =	ssyncadd.s32 $0xFFFFD800  }
0xa2: {  	[spmem:s4] =	stream.indirect.scatter.add.f32 [tilespmem:s23], [sflag:$0x5], $0x10, s7, s24, $0xb8;
	[tilespmem:$0x1DC40] =	vst v63  }
0xa3: {  	_ =	swait.ge [sflag:s22], $0x500  }
0xa4: {  	[sflag:s22] =	ssyncset.done $0x0  }
0xa5: {  	[sflag:s22] =	ssyncadd.s32 $0xFFFFFB00  }
0xa6: {  	[bflag:$0x0] =	sbarrier.arrive $0xFFFF  }
0xa7: {  	s12 =	rddreg [dreg:$0xe]  }
0xa8: {  	[hbm:s12], [sflag:s10] =	dma.local [spmem:s9], $0x2710  }
0xa9: {  	s8 =	sadd.s32 $0x1, s8;
	_ =	swait.ge [sflag:s22], $0x2710  }
0xaa: {  	p0 =	sne.s32 s8, s18;
	[sflag:s22] =	ssyncset.done $0x0  }
.Ltmp1:
0xab: {  	[sflag:s22] =	ssyncadd.s32 $0xFFFFD8F0;
	(pc) =	sbr.rel @p0 .LBB2_1-.Ltmp1, $4  }
0xac: {  	[hbm:s17], [sflag:s10] =	dma.local [spmem:s11], $0x4E2  }
0xad: {  	_ =	swait.ge [sflag:s22], $0x4E2  }
0xae: {  	[sflag:s22] =	ssyncset.done $0x0  }
0xaf: {  	[sflag:s22] =	ssyncadd.s32 $0xFFFFFB1E  }
0xb0: {  	_ =	sfence.sel $0x180000  }
0xb1: {  	[bflag:$0x0] =	sbarrier.arrive $0xFFFF  }
0xb2: {  	_ =	strace $0x90000047  }
0xb3: {  	s0 =	stileid.u32;
	[bflag:$0x2] =	sbarrier.arrive $0xFFFF  }
0xb4: {  	p0 =	sne.s32 s0, $0x0;
	s0 =	rddreg [dreg:$0x5]  }
0xb5: {  	s0 =	sadd.s32 @!p0 $0x100000, s0  }
0xb6: {  	[sflag:s0] =	ssyncadd.tile.s32 @!p0 $0x1;
	_ =	shalt  }
.Lfunc_end2:
_tile_overlayer_lowered:
.L_overlay_start_2:
0xb7: {  	(tag) =	ssettag $0x2  }
0xb8: {  	s0 =	rddreg [dreg:$0x0];
	s2 =	stileid.u32  }
0xb9: {  	s1 =	rddreg [dreg:$0x1];
	p0 =	sne.s32 s2, $0x0  }
0xba: {  	s3 =	rddreg [dreg:$0x2];
	[bflag:$0x3] =	sbarrier.arrive $0xFFFF;
	s2 =	simm.s32 @!p0 $0x1C05  }
0xbb: {  	[timem:s3], [sflag:s2] =	dma.local @!p0 [hbm:s0], s1  }
0xbc: {  	s0 =	simm.s32 @!p0 $0x5  }
0xbd: {  	_ =	swait.ge @!p0 [sflag:s0], s1  }
0xbe: {  	s1 =	ssub.s32 @!p0 $0x0, s1;
	[sflag:s0] =	ssyncset.done @!p0 $0x0  }
0xbf: {  	[sflag:s0] =	ssyncadd.s32 @!p0 s1  }
0xc0: {  	[bflag:$0x3] =	sbarrier.arrive $0xFFFF  }
0xc1: {  	_ =	shalt  }

// kernel: kernel.9.cloned.1.call-start
scs
__scs_entry_jumppad:
0x0: {  	(pc) =	sbr.rel $0x88, $3  }
0x1: {  	(tag) =	ssettag $0x0;
	lr =	simm.s32 $0x1  }
0x2: {  	[smem:$0x3F99] =	sst lr;
	_ =	strace $0xD0000000  }
0x3: {  	_ = 	snop  }
0x4: {  	_ = 	snop  }
0x5: {  	_ = 	snop  }
0x6: {  	_ = 	snop  }
0x7: {  	_ = 	snop  }
__scs_overlays_trampoline_lowered:
0x8: {  	[smem:$0x3FA8] =	sst s0  }
0x9: {  	[smem:$0x3FA9] =	sst s1  }
0xa: {  	[smem:$0x3FAA] =	sst s2  }
0xb: {  	[smem:$0x3FAB] =	sst s3  }
0xc: {  	[smem:$0x3FAC] =	sst s4  }
0xd: {  	[smem:$0x3FAD] =	sst s5  }
0xe: {  	[smem:$0x3FAE] =	sst s6  }
0xf: {  	[smem:$0x3FAF] =	sst s7  }
0x10: {  	[smem:$0x3FB0] =	sst s8  }
0x11: {  	[smem:$0x3FB1] =	sst s9;
	s0 =	simm.s32 @!p0 $0x0  }
0x12: {  	s1 =	sld [smem:$0x3F97];
	s0 =	simm.s32 @p0 $0x1  }
0x13: {  	[smem:$0x3FB2] =	sst s0;
	s0 =	simm.s32 @!p1 $0x0  }
0x14: {  	s2 =	sld [smem:$0x3F96];
	s0 =	simm.s32 @p1 $0x1  }
0x15: {  	[smem:$0x3FB3] =	sst s0;
	s0 =	simm.s32 @!p2 $0x0  }
0x16: {  	s3 =	sld [smem:$0x3FDB];
	s0 =	simm.s32 @p2 $0x1  }
0x17: {  	s4 =	simm.s32 $0x1BF5;
	[smem:$0x3FB5] =	sst s0  }
0x18: {  	s0 =	sld [smem:$0x3F98];
	_ =	swait.ge [sflag:s4], $0x0  }
0x19: {  	s7 =	sld [smem:$0x3F99]  }
0x1a: {  	s8 =	sadd.s32 $0xFFFFE003, lr  }
0x1b: {  	s9 =	sadd.s32 $0xFFFFFEF7, lr;
	s5 =	simm.s32 $0xFFFFFFFF;
	p2 =	slt.u32 s8, $0xFFFFF086  }
0x1c: {  	p1 =	slt.u32 s9, $0xF7A;
	s5 =	simm.s32 @!p2 $0x0  }
0x1d: {  	s5 =	simm.s32 @p1 $0x1;
	p0 =	seq.s32 s7, s2  }
0x1e: {  	s7 =	smul.u32 @!p0 $0xF7A, s2;
	p2 =	seq.s32 @!p0 s5, $0x0  }
0x1f: {  	s9 =	smul.u32 $0xF7A, s1;
	s8 =	simm.s32 @!p0 $0x1BF5;
	p2 =	por !p2, p0  }
0x20: {  	[sflag:s8] =	ssyncset.s32 @!p0 $0xFFFFF086;
	s6 =	sadd.s32 @!p0 s3, s7;
	s7 =	simm.s32 @!p0 $0x108  }
0x21: {  	s3 =	sadd.s32 s3, s9;
	s6 =	sadd.s32 @!p0 $0x88, s6;
	s7 =	simm.s32 @p2 $0x1082  }
0x22: {  	[simem:s7], [sflag:s8] =	dma.local @!p0 [hbm:s6], $0xF7A  }
0x23: {  	s9 =	sor.u32 $0xD0000000, s2;
	s6 =	simm.s32 $0x108;
	_ =	swait.ge @!p0 [sflag:s8], $0x0  }
0x24: {  	s3 =	sadd.s32 $0x88, s3;
	s6 =	simm.s32 @!p1 $0x1082;
	[sflag:s4] =	ssyncset.s32 $0xFFFFF086  }
0x25: {  	[simem:s6], [sflag:s4] =	dma.local [hbm:s3], $0xF7A  }
0x26: {  	[smem:$0x3F99] =	sst s1;
	(tag) =	ssettag s2;
	_ =	strace s9  }
0x27: {  	s1 =	sld [smem:$0x3FA9]  }
0x28: {  	s2 =	sld [smem:$0x3FAA]  }
0x29: {  	s4 =	sld [smem:$0x3FAC]  }
0x2a: {  	p0 =	seq.s32 s5, $0x0;
	s5 =	sld [smem:$0x3FAD]  }
0x2b: {  	s6 =	sld [smem:$0x3FAE]  }
0x2c: {  	s7 =	sld [smem:$0x3FAF]  }
0x2d: {  	s3 =	simm.s32 $0x108;
	s8 =	sld [smem:$0x3FB0]  }
0x2e: {  	s3 =	simm.s32 @!p0 $0x1082;
	s9 =	sld [smem:$0x3FB1]  }
0x2f: {  	lr =	sadd.s32 s0, s3;
	s0 =	sld [smem:$0x3FA8]  }
0x30: {  	s3 =	sld [smem:$0x3FAB]  }
0x31: {  	[smem:$0x3FB4] =	sst s10  }
0x32: {  	s10 =	sld [smem:$0x3FB2];
	_ =	sdelay $0x3  }
0x33: {  	p0 =	seq.s32 s10, $0x1;
	s10 =	sld [smem:$0x3FB4];
	_ =	sdelay $0x3  }
0x34: {  	[smem:$0x3FB4] =	sst s10  }
0x35: {  	s10 =	sld [smem:$0x3FB3];
	_ =	sdelay $0x3  }
0x36: {  	p1 =	seq.s32 s10, $0x1;
	s10 =	sld [smem:$0x3FB4];
	_ =	sdelay $0x3  }
0x37: {  	[smem:$0x3FB4] =	sst s10  }
0x38: {  	s10 =	sld [smem:$0x3FB5]  }
0x39: {  	_ = 	snop;
	(pc) =	sbr.ind lr, $3  }
0x3a: {  	_ = 	snop  }
0x3b: {  	_ = 	snop  }
0x3c: {  	p2 =	seq.s32 s10, $0x1;
	s10 =	sld [smem:$0x3FB4]  }
0x3d: {  	_ =	shalt  }
0x3e: {  	_ =	shalt  }
0x3f: {  	_ =	shalt  }
0x40: {  	_ =	shalt  }
0x41: {  	_ =	shalt  }
0x42: {  	_ =	shalt  }
0x43: {  	_ =	shalt  }
0x44: {  	_ =	shalt  }
0x45: {  	_ =	shalt  }
0x46: {  	_ =	shalt  }
0x47: {  	_ =	shalt  }
0x48: {  	_ =	shalt  }
0x49: {  	_ =	shalt  }
0x4a: {  	_ =	shalt  }
0x4b: {  	_ =	shalt  }
0x4c: {  	_ =	shalt  }
0x4d: {  	_ =	shalt  }
0x4e: {  	_ =	shalt  }
0x4f: {  	_ =	shalt  }
0x50: {  	_ =	shalt  }
0x51: {  	_ =	shalt  }
0x52: {  	_ =	shalt  }
0x53: {  	_ =	shalt  }
0x54: {  	_ =	shalt  }
0x55: {  	_ =	shalt  }
0x56: {  	_ =	shalt  }
0x57: {  	_ =	shalt  }
0x58: {  	_ =	shalt  }
0x59: {  	_ =	shalt  }
0x5a: {  	_ =	shalt  }
0x5b: {  	_ =	shalt  }
0x5c: {  	_ =	shalt  }
0x5d: {  	_ =	shalt  }
0x5e: {  	_ =	shalt  }
0x5f: {  	_ =	shalt  }
0x60: {  	_ =	shalt  }
0x61: {  	_ =	shalt  }
0x62: {  	_ =	shalt  }
0x63: {  	_ =	shalt  }
0x64: {  	_ =	shalt  }
0x65: {  	_ =	shalt  }
0x66: {  	_ =	shalt  }
0x67: {  	_ =	shalt  }
0x68: {  	_ =	shalt  }
0x69: {  	_ =	shalt  }
0x6a: {  	_ =	shalt  }
0x6b: {  	_ =	shalt  }
0x6c: {  	_ =	shalt  }
0x6d: {  	_ =	shalt  }
0x6e: {  	_ =	shalt  }
0x6f: {  	_ =	shalt  }
0x70: {  	_ =	shalt  }
0x71: {  	_ =	shalt  }
0x72: {  	_ =	shalt  }
0x73: {  	_ =	shalt  }
0x74: {  	_ =	shalt  }
0x75: {  	_ =	shalt  }
0x76: {  	_ =	shalt  }
0x77: {  	_ =	shalt  }
0x78: {  	_ =	shalt  }
0x79: {  	_ =	shalt  }
0x7a: {  	_ =	shalt  }
0x7b: {  	_ =	shalt  }
0x7c: {  	_ =	shalt  }
0x7d: {  	_ =	shalt  }
0x7e: {  	_ =	shalt  }
0x7f: {  	_ =	shalt  }
0x80: {  	_ =	shalt  }
0x81: {  	_ =	shalt  }
0x82: {  	_ =	shalt  }
0x83: {  	_ =	shalt  }
0x84: {  	_ =	shalt  }
0x85: {  	_ =	shalt  }
0x86: {  	_ =	shalt  }
0x87: {  	_ =	shalt  }
.Lfunc_end0:
.L_simem_size_0:
called_computation.1_lowered:
.L_overlay_start_0:
0x88: {  	s2 =	sld [smem:$0x3FD9]  }
0x89: {  	s3 =	sld [smem:$0x3FFE];
	_ =	sdelay $0x1  }
0x8a: {  	s1 =	srdreg.scid  }
0x8b: {  	s0 =	sand.u32 $0x1, s1  }
0x8c: {  	s17 =	sshll.u32 s0, $0xA;
	s2 =	sadd.s32 s3, s2  }
0x8d: {  	s2 =	sadd.s32 s2, s17  }
0x8e: {  	[smem:$0x3FC0] =	sst s2  }
0x8f: {  	_ = 	snop  }
0x90: {  	s2 =	sld [smem:$0x3FD0];
	(tm) =	ssettm $0x1  }
0x91: {  	s18 =	sld [smem:$0x3FFB];
	_ =	sdelay $0x3  }
0x92: {  	_ =	strace s18  }
0x93: {  	s3 =	sld [smem:$0x3FFC];
	_ =	sdelay $0x3  }
0x94: {  	_ =	strace s3  }
0x95: {  	s3 =	sld [smem:$0x3FFD];
	_ =	sdelay $0x3  }
0x96: {  	_ =	strace s3  }
0x97: {  	_ =	strace $0x8FFFFFFF  }
0x98: {  	s19 =	sld [smem:$0x3FDB];
	_ =	sdelay $0x1  }
0x99: {  	s4 =	simm.s32 $_scs_section_size  }
0x9a: {  	s5 =	simm.s32 $_size__tile_overlayer_lowered;
	s6 =	simm.s32 $_tile_overlayer_lowered  }
0x9b: {  	s22 =	simm.s32 $0x1BFF;
	s21 =	sshll.u32 s6, $0x1;
	s3 =	sadd.s32 s4, s19  }
0x9c: {  	s7 =	simm.s32 $0x0;
	s20 =	sshll.u32 s5, $0x1;
	s5 =	sadd.s32 s21, s3  }
0x9d: {  	[timem:s7], [sflag:s22] =	dma.local [hbm:s5], s20  }
0x9e: {  	_ =	swait.ge [sflag:s22], s20  }
0x9f: {  	s4 =	ssub.s32 $0x0, s20;
	[sflag:s22] =	ssyncset.done $0x0  }
0xa0: {  	[sflag:s22] =	ssyncadd.s32 s4;
	_ =	sdelay $0x1  }
0xa1: {  	s23 =	simm.s32 $0x1B8B  }
0xa2: {  	_ =	swait.ge [sflag:s23], $0x1  }
0xa3: {  	[sflag:s23] =	ssyncset.done $0x0  }
0xa4: {  	s25 =	simm.s32 $0x1B8E;
	s24 =	sld [smem:$0x3FFE];
	[sflag:s23] =	ssyncadd.s32 $0xFFFFFFFF  }
0xa5: {  	s26 =	simm.s32 $execute0_lowered;
	[smem:$0x3FD2] =	sst s25  }
0xa6: {  	s5 =	sshll.u32 s26, $0x1;
	_ =	strace $0x80000049;
	[dreg:$0x1] =	wrdreg $0xFFFFFFFF  }
0xa7: {  	s28 =	simm.s32 $_size_execute0_lowered;
	s3 =	sadd.s32 s3, s5;
	[dreg:$0x0] =	wrdreg $0x0  }
0xa8: {  	s5 =	sshll.u32 s28, $0x1;
	[dreg:$0x2] =	wrdreg s3  }
0xa9: {  	[dreg:$0x3] =	wrdreg s5  }
0xaa: {  	[dreg:$0x4] =	wrdreg $0xC0  }
0xab: {  	_ =	task [dreg:s7], $0x5FFFF  }
0xac: {  	[dreg:$0x1] =	wrdreg $0xFFFFFFFF  }
0xad: {  	[dreg:$0x0] =	wrdreg $0x60  }
0xae: {  	[dreg:$0x2] =	wrdreg s24  }
0xaf: {  	[dreg:$0x3] =	wrdreg s2  }
0xb0: {  	[dreg:$0x4] =	wrdreg $0x77B00  }
0xb1: {  	[dreg:$0x5] =	wrdreg $0x9  }
0xb2: {  	_ =	task.clear_ibuf [dreg:s7], $0x6FFFF;
	_ =	strace $0x90000049  }
0xb3: {  	s29 =	simm.s32 $0x9;
	_ =	strace $0x8000004B  }
0xb4: {  	_ =	swait.ge [sflag:s29], $0x1  }
0xb5: {  	[sflag:s29] =	ssyncadd.s32 $0xFFFFFFFF  }
0xb6: {  	_ =	strace $0x9000004B  }
0xb7: {  	_ =	sfence  }
0xb8: {  	s30 =	sld [smem:$0x0];
	_ =	sdelay $0x2  }
0xb9: {  	s31 =	sshll.u32 s1, $0xD;
	s1 =	sshrl.u32 s1, $0x2  }
0xba: {  	s3 =	sand.u32 $0x4000, s31;
	s1 =	sadd.s32 s1, s30  }
0xbb: {  	s0 =	sor.u32 s3, s0;
	s1 =	sshll.u32 s1, $0x11  }
0xbc: {  	s0 =	sor.u32 s1, s0  }
0xbd: {  	s0 =	sadd.s32 $0x8F2B, s0  }
0xbe: {  	[sflag:s0] =	ssyncadd.remote.s32 $0x1  }
0xbf: {  	_ =	sfence.sel $0xFFFF  }
0xc0: {  	[dreg:$0x0] =	wrdreg $0xFFFFFFFF;
	(pc) =	sbr.abs _section_cstart, $3  }
0xc1: {  	[dreg:$0x1] =	wrdreg $0xFFFFFFFF  }
0xc2: {  	_ =	task.clear_ibuf [dreg:s7], $0x2FFFF;
	_ =	strace $0x9FFFFFFF  }
0xc3: {  	(tm) =	ssettm $0x7FFFFFFF  }
tec
execute0_lowered:
.L_overlay_start_1:
0x0: {  	(tag) =	ssettag $0x1  }
0x1: {  	s0 =	rddreg [dreg:$0x0]  }
0x2: {  	s6 =	rddreg [dreg:$0x1]  }
0x3: {  	s2 =	rddreg [dreg:$0x2]  }
0x4: {  	s3 =	srdreg.scid;
	s1 =	stileid.u32  }
0x5: {  	s17 =	simm.s32 $0x5;
	s18 =	simm.s32 $0x50;
	s19 =	simm.s32 $0x27B0  }
0x6: {  	s20 =	simm.s32 $0x4FB0;
	s21 =	simm.s32 $0x1;
	s22 =	simm.s32 $0x3  }
0x7: {  	s23 =	simm.s32 $0x2;
	s28 =	simm.s32 $0x2760;
	s29 =	simm.s32 $0x0  }
0x8: {  	s7 =	sand.u32 $0x1, s3;
	s3 =	simm.s32 $0x0;
	s8 =	smul.u32 $0x13880, s1  }
0x9: {  	s5 =	sadd.s32 $0xC600, s0;
	s25 =	sshll.u32 s1, $0x6;
	s26 =	smul.u32 $0x2710, s1  }
0xa: {  	s4 =	sshll.u32 s7, $0x4;
	[smem:$0x7FF] =	sst s3;
	s10 =	smul.u32 $0x138800, s7  }
0xb: {  	s12 =	ssub.s32 $0x2, s7;
	s24 =	smul.u32 $0x27100, s7;
	s7 =	sor.u32 $0x1C05, s25  }
0xc: {  	s9 =	sor.u32 s1, s4;
	_ =	strace $0x8000004A;
	s4 =	sadd.s32 $0x16400, s0  }
0xd: {  	s14 =	sshrl.u32 s12, $0x1;
	s16 =	sadd.s32 s8, s2;
	s11 =	smul.u32 $0x4E2, s9  }
0xe: {  	s10 =	sadd.s32 s8, s10;
	s12 =	ssub.s32 s12, s14;
	s9 =	smul.u32 $0x2710, s9  }
0xf: {  	s8 =	sshrl.u32 s8, $0x3;
	s15 =	sadd.s32 s26, s24;
	s16 =	sshrl.u32 s16, $0x3  }
0x10: {  	s24 =	simm.s32 $0x4;
	s26 =	simm.s32 $0x2710;
	s10 =	sshrl.u32 s10, $0x3  }
0x11: {  	s6 =	sadd.s32 s6, s8;
	s31 =	sadd.s32 $0xF0, s15;
	s12 =	smax.u32 s12, $0x1  }
0x12: {  	s15 =	sadd.s32 $0xA0, s15;
	s13 =	sadd.s32 s11, s0;
	s0 =	sadd.s32 s10, s0  }
0x13: {  	s30 =	sshrl.u32 s9, $0x3;
	s9 =	sadd.s32 s5, s11;
	s8 =	sadd.s32 $0x2800, s13  }
0x14: {  	s13 =	sadd.s32 s5, s30;
	s11 =	sadd.s32 $0x3D600, s0;
	s0 =	sshrl.u32 s31, $0x3  }
0x15: {  	s10 =	sadd.s32 $0xA, s13;
	s13 =	sadd.s32 $0x4D8, s13;
	s14 =	sadd.s32 s0, s5  }
.LBB2_1:
0x16: {  	[spmem:s16], [sflag:s7] =	dma.local [hbm:s6], $0x2710  }
0x17: {  	_ =	swait.ge [sflag:s17], $0x2710  }
0x18: {  	[sflag:s17] =	ssyncset.done $0x0  }
0x19: {  	s0 =	simm.s32 $0xA0;
	[sflag:s17] =	ssyncadd.s32 $0xFFFFD8F0  }
0x1a: {  	[tilespmem:s0], [sflag:$0x5] =	stream.linear.gather [hbm4b:s8+s3], $0x2710, $0x38;
	[tilespmem:$0x1B030] =	vst v63  }
0x1b: {  	_ =	swait.ge [sflag:s17], $0x2710  }
0x1c: {  	[sflag:s17] =	ssyncset.done $0x0  }
0x1d: {  	[sflag:s17] =	ssyncadd.s32 $0xFFFFD8F0  }
0x1e: {  	[tilespmem:s3], [sflag:$0x5] =	stream.linear.gather [hbm4b:s9+s3], $0x50, $0x38;
	[tilespmem:$0x1B030] =	vst v63  }
0x1f: {  	_ =	swait.ge [sflag:s17], $0x50  }
0x20: {  	[sflag:s17] =	ssyncset.done $0x0  }
0x21: {  	[sflag:s17] =	ssyncadd.s32 $0xFFFFFFB0  }
0x22: {  	[tilespmem:s18], [sflag:$0x5] =	stream.linear.gather [hbm4b:s10+s3], $0x50, $0x38;
	[tilespmem:$0x1B030] =	vst v63  }
0x23: {  	_ =	swait.ge [sflag:s17], $0x50  }
0x24: {  	[sflag:s17] =	ssyncset.done $0x0  }
0x25: {  	[sflag:s17] =	ssyncadd.s32 $0xFFFFFFB0  }
0x26: {  	[bflag:$0x0] =	sbarrier.arrive $0xFFFF  }
0x27: {  	[tilespmem:s19], [sflag:$0x1] =	stream.indirect.gather [hbm4b:s4+s18], $0x80, s3, s18, $0xb8;
	[tilespmem:$0x1B030] =	vst v63  }
0x28: {  	_ = 	snop  }
0x29: {  	[tilespmem:s20], [sflag:$0x2] =	stream.indirect.gather [hbm4b:s4+s18], $0x80, s18, s18, $0xb8;
	[tilespmem:$0x1B030] =	vst v63  }
0x2a: {  	_ =	swait.ge [sflag:s21], $0x2800  }
0x2b: {  	s30 =	sshrl.u32 s15, $0x3;
	[sflag:s21] =	ssyncset.done $0x0  }
0x2c: {  	s30 =	sadd.s32 s5, s30;
	[sflag:s21] =	ssyncadd.s32 $0xFFFFD800  }
0x2d: {  	[tilespmem:s3], [sflag:$0x3] =	stream.linear.gather [hbm4b:s30+s3], $0x50, $0x38;
	[tilespmem:$0x1B030] =	vst v63  }
0x2e: {  	_ = 	snop  }
0x2f: {  	[spmem:s2] =	stream.indirect.scatter.add.f32 [tilespmem:s19], [sflag:$0x5], $0x80, s0, s18, $0xb8;
	[tilespmem:$0x1B030] =	vst v63  }
0x30: {  	_ =	swait.ge [sflag:s17], $0x2800  }
0x31: {  	[sflag:s17] =	ssyncset.done $0x0  }
0x32: {  	[sflag:s17] =	ssyncadd.s32 $0xFFFFD800  }
0x33: {  	_ =	swait.ge [sflag:s22], $0x50  }
0x34: {  	[sflag:s22] =	ssyncset.done $0x0  }
0x35: {  	[sflag:s22] =	ssyncadd.s32 $0xFFFFFFB0  }
0x36: {  	[tilespmem:s19], [sflag:$0x1] =	stream.indirect.gather [hbm4b:s4+s18], $0x80, s3, s18, $0xb8;
	[tilespmem:$0x1B030] =	vst v63  }
0x37: {  	_ =	swait.ge [sflag:s23], $0x2800  }
0x38: {  	[sflag:s23] =	ssyncset.done $0x0  }
0x39: {  	s1 =	sadd.s32 $0x0, s14;
	[sflag:s23] =	ssyncadd.s32 $0xFFFFD800  }
0x3a: {  	[tilespmem:s18], [sflag:$0x4] =	stream.linear.gather [hbm4b:s1+s3], $0x50, $0x38;
	[tilespmem:$0x1B030] =	vst v63  }
0x3b: {  	s25 =	simm.s32 $0xF0  }
0x3c: {  	[spmem:s2] =	stream.indirect.scatter.add.f32 [tilespmem:s20], [sflag:$0x5], $0x80, s25, s18, $0xb8;
	[tilespmem:$0x1B030] =	vst v63  }
0x3d: {  	_ =	swait.ge [sflag:s17], $0x2800  }
0x3e: {  	[sflag:s17] =	ssyncset.done $0x0  }
0x3f: {  	[sflag:s17] =	ssyncadd.s32 $0xFFFFD800  }
0x40: {  	_ =	swait.ge [sflag:s24], $0x50  }
0x41: {  	s31 =	simm.s32 $0x140;
	[sflag:s24] =	ssyncset.done $0x0  }
0x42: {  	s30 =	simm.s32 $0x14;
	s0 =	sadd.s32 $0xA0, s15;
	[sflag:s24] =	ssyncadd.s32 $0xFFFFFFB0  }
.LBB2_2:
0x43: {  	[tilespmem:s20], [sflag:$0x2] =	stream.indirect.gather [hbm4b:s4+s18], $0x80, s18, s18, $0xb8;
	[tilespmem:$0x1B030] =	vst v63  }
0x44: {  	s1 =	smov.u32 s30  }
0x45: {  	p0 =	sne.s32 s30, $0x4B0;
	s30 =	sadd.s32 $0x14, s30;
	_ =	swait.ge [sflag:s21], $0x2800  }
0x46: {  	s25 =	sshrl.u32 s0, $0x3;
	[sflag:s21] =	ssyncset.done $0x0  }
0x47: {  	s25 =	sadd.s32 s5, s25;
	[sflag:s21] =	ssyncadd.s32 $0xFFFFD800  }
0x48: {  	[tilespmem:s3], [sflag:$0x3] =	stream.linear.gather [hbm4b:s25+s3], $0x50, $0x38;
	[tilespmem:$0x1B030] =	vst v63  }
0x49: {  	_ = 	snop  }
0x4a: {  	[spmem:s2] =	stream.indirect.scatter.add.f32 [tilespmem:s19], [sflag:$0x5], $0x80, s31, s18, $0xb8;
	[tilespmem:$0x1B030] =	vst v63  }
0x4b: {  	_ =	swait.ge [sflag:s17], $0x2800  }
0x4c: {  	[sflag:s17] =	ssyncset.done $0x0  }
0x4d: {  	[sflag:s17] =	ssyncadd.s32 $0xFFFFD800  }
0x4e: {  	_ =	swait.ge [sflag:s22], $0x50  }
0x4f: {  	[sflag:s22] =	ssyncset.done $0x0  }
0x50: {  	[sflag:s22] =	ssyncadd.s32 $0xFFFFFFB0  }
0x51: {  	[tilespmem:s19], [sflag:$0x1] =	stream.indirect.gather [hbm4b:s4+s18], $0x80, s3, s18, $0xb8;
	[tilespmem:$0x1B030] =	vst v63  }
0x52: {  	_ =	swait.ge [sflag:s23], $0x2800  }
0x53: {  	[sflag:s23] =	ssyncset.done $0x0  }
0x54: {  	s1 =	sadd.s32 s1, s14;
	[sflag:s23] =	ssyncadd.s32 $0xFFFFD800  }
0x55: {  	[tilespmem:s18], [sflag:$0x4] =	stream.linear.gather [hbm4b:s1+s3], $0x50, $0x38;
	[tilespmem:$0x1B030] =	vst v63  }
0x56: {  	s1 =	sadd.s32 $0x50, s31  }
0x57: {  	[spmem:s2] =	stream.indirect.scatter.add.f32 [tilespmem:s20], [sflag:$0x5], $0x80, s1, s18, $0xb8;
	[tilespmem:$0x1B030] =	vst v63  }
0x58: {  	_ =	swait.ge [sflag:s17], $0x2800  }
.Ltmp0:
0x59: {  	[sflag:s17] =	ssyncset.done $0x0;
	(pc) =	sbr.rel @p0 .LBB2_2-.Ltmp0, $4  }
0x5a: {  	[sflag:s17] =	ssyncadd.s32 $0xFFFFD800  }
0x5b: {  	_ =	swait.ge [sflag:s24], $0x50  }
0x5c: {  	[sflag:s24] =	ssyncset.done $0x0  }
0x5d: {  	s0 =	sadd.s32 $0xA0, s0;
	s31 =	sadd.s32 $0xA0, s31;
	[sflag:s24] =	ssyncadd.s32 $0xFFFFFFB0  }
0x5e: {  	[tilespmem:s20], [sflag:$0x2] =	stream.indirect.gather [hbm4b:s4+s18], $0x80, s18, s18, $0xb8;
	[tilespmem:$0x1B030] =	vst v63  }
0x5f: {  	_ =	swait.ge [sflag:s21], $0x2800  }
0x60: {  	[sflag:s21] =	ssyncset.done $0x0  }
0x61: {  	[sflag:s21] =	ssyncadd.s32 $0xFFFFD800  }
0x62: {  	[tilespmem:s3], [sflag:$0x3] =	stream.linear.gather [hbm4b:s13+s3], $0x50, $0x38;
	[tilespmem:$0x1B030] =	vst v63  }
0x63: {  	s0 =	simm.s32 $0x26C0  }
0x64: {  	[spmem:s2] =	stream.indirect.scatter.add.f32 [tilespmem:s19], [sflag:$0x5], $0x80, s0, s18, $0xb8;
	[tilespmem:$0x1B030] =	vst v63  }
0x65: {  	_ =	swait.ge [sflag:s17], $0x2800  }
0x66: {  	[sflag:s17] =	ssyncset.done $0x0  }
0x67: {  	[sflag:s17] =	ssyncadd.s32 $0xFFFFD800  }
0x68: {  	_ =	swait.ge [sflag:s22], $0x50  }
0x69: {  	[sflag:s22] =	ssyncset.done $0x0  }
0x6a: {  	[sflag:s22] =	ssyncadd.s32 $0xFFFFFFB0  }
0x6b: {  	[tilespmem:s19], [sflag:$0x1] =	stream.indirect.gather [hbm4b:s4+s18], $0x80, s3, s18, $0xb8;
	[tilespmem:$0x1B030] =	vst v63  }
0x6c: {  	_ =	swait.ge [sflag:s23], $0x2800  }
0x6d: {  	[sflag:s23] =	ssyncset.done $0x0  }
0x6e: {  	[sflag:s23] =	ssyncadd.s32 $0xFFFFD800  }
0x6f: {  	[spmem:s2] =	stream.indirect.scatter.add.f32 [tilespmem:s20], [sflag:$0x5], $0x80, s26, s18, $0xb8;
	[tilespmem:$0x1B030] =	vst v63  }
0x70: {  	_ =	swait.ge [sflag:s17], $0x2800  }
0x71: {  	[sflag:s17] =	ssyncset.done $0x0  }
0x72: {  	[sflag:s17] =	ssyncadd.s32 $0xFFFFD800  }
0x73: {  	_ =	swait.ge [sflag:s21], $0x2800  }
0x74: {  	[sflag:s21] =	ssyncset.done $0x0  }
0x75: {  	[sflag:s21] =	ssyncadd.s32 $0xFFFFD800  }
0x76: {  	[spmem:s2] =	stream.indirect.scatter.add.f32 [tilespmem:s19], [sflag:$0x5], $0x80, s28, s18, $0xb8;
	[tilespmem:$0x1B030] =	vst v63  }
0x77: {  	_ =	swait.ge [sflag:s17], $0x2800  }
0x78: {  	s29 =	sadd.s32 $0x1, s29;
	[sflag:s17] =	ssyncset.done $0x0  }
0x79: {  	p0 =	sne.s32 s29, s12;
	[sflag:s17] =	ssyncadd.s32 $0xFFFFD800  }
.Ltmp1:
0x7a: {  	[bflag:$0x0] =	sbarrier.arrive $0xFFFF;
	(pc) =	sbr.rel @p0 .LBB2_1-.Ltmp1, $4  }
0x7b: {  	[hbm:s11], [sflag:s7] =	dma.local [spmem:s16], $0x2710  }
0x7c: {  	_ =	swait.ge [sflag:s17], $0x2710  }
0x7d: {  	[sflag:s17] =	ssyncset.done $0x0  }
0x7e: {  	[sflag:s17] =	ssyncadd.s32 $0xFFFFD8F0  }
0x7f: {  	_ =	sfence.sel $0x180000  }
0x80: {  	[bflag:$0x0] =	sbarrier.arrive $0xFFFF  }
0x81: {  	_ =	strace $0x9000004A  }
0x82: {  	s0 =	stileid.u32;
	[bflag:$0x2] =	sbarrier.arrive $0xFFFF  }
0x83: {  	p0 =	sne.s32 s0, $0x0;
	s0 =	rddreg [dreg:$0x3]  }
0x84: {  	s0 =	sadd.s32 @!p0 $0x100000, s0  }
0x85: {  	[sflag:s0] =	ssyncadd.tile.s32 @!p0 $0x1;
	_ =	shalt  }
.Lfunc_end2:
_tile_overlayer_lowered:
.L_overlay_start_2:
0x86: {  	(tag) =	ssettag $0x2  }
0x87: {  	s0 =	rddreg [dreg:$0x0];
	s2 =	stileid.u32  }
0x88: {  	s1 =	rddreg [dreg:$0x1];
	p0 =	sne.s32 s2, $0x0  }
0x89: {  	s3 =	rddreg [dreg:$0x2];
	[bflag:$0x3] =	sbarrier.arrive $0xFFFF;
	s2 =	simm.s32 @!p0 $0x1C05  }
0x8a: {  	[timem:s3], [sflag:s2] =	dma.local @!p0 [hbm:s0], s1  }
0x8b: {  	s0 =	simm.s32 @!p0 $0x5  }
0x8c: {  	_ =	swait.ge @!p0 [sflag:s0], s1  }
0x8d: {  	s1 =	ssub.s32 @!p0 $0x0, s1;
	[sflag:s0] =	ssyncset.done @!p0 $0x0  }
0x8e: {  	[sflag:s0] =	ssyncadd.s32 @!p0 s1  }
0x8f: {  	[bflag:$0x3] =	sbarrier.arrive $0xFFFF  }
0x90: {  	_ =	shalt  }

</sc_bundles>
